<compile_context>
chip_gen: v7x
topology: tpu7x:2x2x1
jax: 0.10.2.dev20260603
libtpu: 0.0.44.dev20260713+nightly
codegen_flags: <defaults>
</compile_context>

<pallas_src>
import functools

import jax
import jax.numpy as jnp
from jax import lax
from jax.experimental import pallas as pl
from jax.experimental.pallas import tpu as pltpu
from jax.experimental.pallas import tpu_sc as plsc

N_POS_EMB = 100000
LANES = 16

NC = 2
NS = 16
NW = NC * NS

BATCH = 16384
HIST = 200
D = 16
B_TOTAL = BATCH * HIST
B_PER_W = B_TOTAL // NW
CHUNK = 2048
NCHUNK = B_PER_W // CHUNK


def _body(coord_hbm, table_hbm, out_hbm, coord_v, idx_v, rows_v,
          csem0, csem1, gsem0, gsem1, osem0, osem1):
    csem = (csem0, csem1)
    gsem = (gsem0, gsem1)
    osem = (osem0, osem1)

    wid = lax.axis_index("s") * NC + lax.axis_index("c")
    base = wid * B_PER_W

    def coord_in(g, b):
        pltpu.async_copy(
            coord_hbm.at[pl.ds(base + g * CHUNK, CHUNK)], coord_v.at[b], csem[b]
        )

    def wait_coord(g, b):
        pltpu.make_async_copy(
            coord_hbm.at[pl.ds(base + g * CHUNK, CHUNK)], coord_v.at[b], csem[b]
        ).wait()

    def compute_idx(b):
        @pl.loop(0, CHUNK // LANES, unroll=4)
        def _cvt(i):
            v = coord_v[b, pl.ds(i * LANES, LANES)]
            scaled = v * float(N_POS_EMB)
            clipped = jnp.minimum(jnp.maximum(scaled, 0.0), float(N_POS_EMB))
            idx_v[b, pl.ds(i * LANES, LANES)] = clipped.astype(jnp.int32)

    def fire_gather(b):
        pltpu.async_copy(table_hbm.at[idx_v.at[b]], rows_v.at[b], gsem[b])

    def wait_gather(b):
        pltpu.make_async_copy(table_hbm.at[idx_v.at[b]], rows_v.at[b], gsem[b]).wait()

    def fire_out(g, b):
        pltpu.async_copy(
            rows_v.at[b], out_hbm.at[pl.ds(base + g * CHUNK, CHUNK)], osem[b]
        )

    def wait_out(g, b):
        pltpu.make_async_copy(
            rows_v.at[b], out_hbm.at[pl.ds(base + g * CHUNK, CHUNK)], osem[b]
        ).wait()

    coord_in(0, 0)

    @pl.loop(0, NCHUNK, step=2)
    def _chunk(g0):
        for b in range(2):
            g = g0 + b
            @pl.when(g0 >= 2 if b == 0 else g0 >= 1)
            def _():
                wait_out(g - 2, b)

            @pl.when(g + 1 < NCHUNK)
            def _():
                coord_in(g + 1, 1 - b)

            wait_coord(g, b)
            compute_idx(b)
            fire_gather(b)
            @pl.when(g >= 1)
            def _():
                wait_gather(1 - b)
                fire_out(g - 1, 1 - b)

    last = NCHUNK - 1
    wait_gather(last % 2)
    fire_out(last, last % 2)
    wait_out(last - 1, (last - 1) % 2)
    wait_out(last, last % 2)


def kernel(coord, embeddings_table, special_token):
    del special_token
    coord_flat = coord.reshape(B_TOTAL)

    mesh = plsc.VectorSubcoreMesh(core_axis_name="c", subcore_axis_name="s")
    run = pl.kernel(
        _body,
        out_type=jax.ShapeDtypeStruct((B_TOTAL, D), jnp.float32),
        mesh=mesh,
        scratch_types=[
            pltpu.VMEM((2, CHUNK), jnp.float32),
            pltpu.VMEM((2, CHUNK), jnp.int32),
            pltpu.VMEM((2, CHUNK, D), jnp.float32),
            pltpu.SemaphoreType.DMA,
            pltpu.SemaphoreType.DMA,
            pltpu.SemaphoreType.DMA,
            pltpu.SemaphoreType.DMA,
            pltpu.SemaphoreType.DMA,
            pltpu.SemaphoreType.DMA,
        ],
        compiler_params=pltpu.CompilerParams(use_tc_tiling_on_sc=False),
    )
    out = run(coord_flat, embeddings_table)
    return out.reshape(BATCH, HIST, D)

# --- scband reference (transcript-rebuilt; emitter-appended) ---
"""Pipeline reference for scband-position-embedder-angular-37890201485771 (READ-ONLY COPY).

The authoritative reference and input builder live on the scoring server;
editing this copy changes nothing except your own understanding.
"""

import jax, jax.numpy as jnp
import numpy as np

MIN_POS_PHYS = 0.0
MAX_POS_PHYS = 1.0
N_POS_EMB = 100000
N_HEADS = 16
BATCH = 16384
HIST = 200


def _xavier_uniform(key, shape, dtype=jnp.float32):
    fan_in, fan_out = shape[0], shape[1]
    limit = float(np.sqrt(6.0 / (fan_in + fan_out)))
    return jax.random.uniform(key, shape, minval=-limit, maxval=limit, dtype=dtype)


def setup_inputs(seed: int = 0) -> dict:
    key = jax.random.key(seed)
    k1, k2, k3 = jax.random.split(key, 3)
    coord = jax.random.uniform(k1, (BATCH, HIST), dtype=jnp.float32)  # in [0,1) == [min_pos_phys, max_pos_phys)
    embeddings_table = _xavier_uniform(k2, (N_POS_EMB + 1, N_HEADS))
    special_token = _xavier_uniform(k3, (1, N_HEADS))  # unused when special_token_mask is None, kept for parity
    return {"coord": coord, "embeddings_table": embeddings_table, "special_token": special_token}


def reference(coord, embeddings_table, special_token):
    # coord_pos = n_pos_emb * (coord - min) / (max - min)
    coord_pos = N_POS_EMB * (coord - MIN_POS_PHYS) / (MAX_POS_PHYS - MIN_POS_PHYS)
    coord_pos_clipped = jnp.clip(coord_pos, 0, N_POS_EMB)
    idx = coord_pos_clipped.astype(jnp.int32)  # torch .long() truncates toward zero; values are >= 0 here
    embeddings = jnp.take(embeddings_table, idx, axis=0)
    # special_token_mask is None in this configuration -> no overwrite
    return embeddings

if __name__ == "__main__":
    import jax
    _d = setup_inputs()
    print(jax.jit(kernel)(*tuple(_d.values())))

</pallas_src>

<mosaic_0001>
#map = affine_map<(d0, d1) -> (0)>
#map1 = affine_map<(d0, d1) -> (0, 0)>
module attributes {stable_mosaic.version = 14 : i64} {
  func.func @_body(%arg0: i32, %arg1: i32, %arg2: memref<3276800xf32, #tpu.memory_space<hbm>>, %arg3: memref<100001x16xf32, #tpu.memory_space<hbm>>, %arg4: memref<3276800x16xf32, #tpu.memory_space<hbm>>, %arg5: memref<2x2048xf32, #tpu.memory_space<vmem>>, %arg6: memref<2x2048xi32, #tpu.memory_space<vmem>>, %arg7: memref<2x2048x16xf32, #tpu.memory_space<vmem>>, %arg8: memref<!tpu.dma_semaphore, #tpu.memory_space<semaphore_mem>>, %arg9: memref<!tpu.dma_semaphore, #tpu.memory_space<semaphore_mem>>, %arg10: memref<!tpu.dma_semaphore, #tpu.memory_space<semaphore_mem>>, %arg11: memref<!tpu.dma_semaphore, #tpu.memory_space<semaphore_mem>>, %arg12: memref<!tpu.dma_semaphore, #tpu.memory_space<semaphore_mem>>, %arg13: memref<!tpu.dma_semaphore, #tpu.memory_space<semaphore_mem>>) attributes {dimension_semantics = [#tpu.dimension_semantics<core_parallel>, #tpu.dimension_semantics<subcore_parallel>], iteration_bounds = array<i64: 2, 16>, scalar_prefetch = 0 : i64, scratch_operands = 9 : i64, tpu.core_type = #tpu.core_type<sc_vector_subcore>, window_params = [{transform_indices = #map}, {transform_indices = #map1}, {transform_indices = #map1}]} {
    %mul3A = arith.constant 2 : i32
    %mul3A_0 = arith.muli %arg1, %mul3A : i32
    %add3A = arith.addi %mul3A_0, %arg0 : i32
    %mul3A_1 = arith.constant 102400 : i32
    %mul3A_2 = arith.muli %add3A, %mul3A_1 : i32
    %add3A_3 = arith.constant 0 : i32
    %add3A_4 = arith.addi %mul3A_2, %add3A_3 : i32
    %dma_start3A = arith.constant 0 : i32
    %dma_start3A_5 = arith.constant 0 : i32
    %dma_start3A_6 = tpu.memref_slice %arg5[%dma_start3A, %dma_start3A_5] : memref<2x2048xf32, #tpu.memory_space<vmem>> -> memref<1x2048xf32, #tpu.memory_space<vmem>>
    %dma_start3A_7 = tpu.memref_squeeze %dma_start3A_6 : memref<1x2048xf32, #tpu.memory_space<vmem>> -> memref<2048xf32, #tpu.memory_space<vmem>>
    %dma_start3A_8 = tpu.memref_slice %arg2[%add3A_4] : memref<3276800xf32, #tpu.memory_space<hbm>> -> memref<2048xf32, #tpu.memory_space<hbm>>
    %dma_start3A_9 = arith.constant 0 : i32
    %dma_start3A_10 = tpu.memref_slice %arg5[%dma_start3A, %dma_start3A_9] : memref<2x2048xf32, #tpu.memory_space<vmem>> -> memref<1x2048xf32, #tpu.memory_space<vmem>>
    %dma_start3A_11 = tpu.memref_squeeze %dma_start3A_10 : memref<1x2048xf32, #tpu.memory_space<vmem>> -> memref<2048xf32, #tpu.memory_space<vmem>>
    %dma_start3A_12 = tpu.memref_slice %arg2[%add3A_4] : memref<3276800xf32, #tpu.memory_space<hbm>> -> memref<2048xf32, #tpu.memory_space<hbm>>
    tpu.enqueue_dma source(%dma_start3A_12 : memref<2048xf32, #tpu.memory_space<hbm>>) target(%dma_start3A_11 : memref<2048xf32, #tpu.memory_space<vmem>>) target_semaphore(%arg8 : memref<!tpu.dma_semaphore, #tpu.memory_space<semaphore_mem>>)
    %scan3A = arith.constant 0 : i32
    %scan3A_13 = arith.constant 25 : i32
    %scan3A_14 = arith.addi %scan3A, %scan3A_13 : i32
    %scan3A_15 = arith.constant 1 : i32
    scf.for %scan3A_73 = %scan3A to %scan3A_14 step %scan3A_15  : i32 {
      %mul3A_74 = arith.constant 2 : i32
      %mul3A_75 = arith.muli %scan3A_73, %mul3A_74 : i32
      %add3A_76 = arith.constant 0 : i32
      %add3A_77 = arith.addi %add3A_76, %mul3A_75 : i32
      %add3A_78 = arith.constant 0 : i32
      %add3A_79 = arith.addi %add3A_77, %add3A_78 : i32
      %ge3A = arith.constant 2 : i32
      %ge3A_80 = arith.cmpi sge, %add3A_77, %ge3A : i32
      %convert_element_type3A = arith.extui %ge3A_80 : i1 to i32
      %cond3A = arith.constant 0 : i32
      %cond3A_81 = arith.cmpi ne, %convert_element_type3A, %cond3A : i32
      scf.if %cond3A_81 {
        %sub3A = arith.constant 2 : i32
        %sub3A_170 = arith.subi %add3A_79, %sub3A : i32
        %mul3A_171 = arith.constant 2048 : i32
        %mul3A_172 = arith.muli %sub3A_170, %mul3A_171 : i32
        %add3A_173 = arith.addi %mul3A_2, %mul3A_172 : i32
        %dma_wait3A_174 = arith.constant 0 : i32
        %dma_wait3A_175 = arith.constant 0 : i32
        %dma_wait3A_176 = arith.constant 0 : i32
        %dma_wait3A_177 = tpu.memref_slice %arg7[%dma_wait3A_174, %dma_wait3A_175, %dma_wait3A_176] : memref<2x2048x16xf32, #tpu.memory_space<vmem>> -> memref<1x2048x16xf32, #tpu.memory_space<vmem>>
        %dma_wait3A_178 = tpu.memref_squeeze %dma_wait3A_177 : memref<1x2048x16xf32, #tpu.memory_space<vmem>> -> memref<2048x16xf32, #tpu.memory_space<vmem>>
        %dma_wait3A_179 = arith.constant 0 : i32
        %dma_wait3A_180 = tpu.memref_slice %arg4[%add3A_173, %dma_wait3A_179] : memref<3276800x16xf32, #tpu.memory_space<hbm>> -> memref<2048x16xf32, #tpu.memory_space<hbm>>
        %dma_wait3A_181 = arith.constant 0 : i32
        %dma_wait3A_182 = tpu.memref_slice %arg4[%add3A_173, %dma_wait3A_181] : memref<3276800x16xf32, #tpu.memory_space<hbm>> -> memref<2048x16xf32, #tpu.memory_space<hbm>>
        %dma_wait3A_183 = arith.constant 0 : i32
        %dma_wait3A_184 = arith.constant 0 : i32
        %dma_wait3A_185 = tpu.memref_slice %arg7[%dma_wait3A_174, %dma_wait3A_183, %dma_wait3A_184] : memref<2x2048x16xf32, #tpu.memory_space<vmem>> -> memref<1x2048x16xf32, #tpu.memory_space<vmem>>
        %dma_wait3A_186 = tpu.memref_squeeze %dma_wait3A_185 : memref<1x2048x16xf32, #tpu.memory_space<vmem>> -> memref<2048x16xf32, #tpu.memory_space<vmem>>
        tpu.wait_dma2 semaphore(%arg12 : memref<!tpu.dma_semaphore, #tpu.memory_space<semaphore_mem>>) src(%dma_wait3A_186 : memref<2048x16xf32, #tpu.memory_space<vmem>>) dst(%dma_wait3A_182 : memref<2048x16xf32, #tpu.memory_space<hbm>>)
      } else {
      }
      %add3A_82 = arith.constant 1 : i32
      %add3A_83 = arith.addi %add3A_79, %add3A_82 : i32
      %lt3A = arith.constant 50 : i32
      %lt3A_84 = arith.cmpi slt, %add3A_83, %lt3A : i32
      %convert_element_type3A_85 = arith.extui %lt3A_84 : i1 to i32
      %cond3A_86 = arith.constant 0 : i32
      %cond3A_87 = arith.cmpi ne, %convert_element_type3A_85, %cond3A_86 : i32
      scf.if %cond3A_87 {
        %add3A_170 = arith.constant 1 : i32
        %add3A_171 = arith.addi %add3A_79, %add3A_170 : i32
        %mul3A_172 = arith.constant 2048 : i32
        %mul3A_173 = arith.muli %add3A_171, %mul3A_172 : i32
        %add3A_174 = arith.addi %mul3A_2, %mul3A_173 : i32
        %dma_start3A_175 = arith.constant 1 : i32
        %dma_start3A_176 = arith.constant 0 : i32
        %dma_start3A_177 = tpu.memref_slice %arg5[%dma_start3A_175, %dma_start3A_176] : memref<2x2048xf32, #tpu.memory_space<vmem>> -> memref<1x2048xf32, #tpu.memory_space<vmem>>
        %dma_start3A_178 = tpu.memref_squeeze %dma_start3A_177 : memref<1x2048xf32, #tpu.memory_space<vmem>> -> memref<2048xf32, #tpu.memory_space<vmem>>
        %dma_start3A_179 = tpu.memref_slice %arg2[%add3A_174] : memref<3276800xf32, #tpu.memory_space<hbm>> -> memref<2048xf32, #tpu.memory_space<hbm>>
        %dma_start3A_180 = arith.constant 0 : i32
        %dma_start3A_181 = tpu.memref_slice %arg5[%dma_start3A_175, %dma_start3A_180] : memref<2x2048xf32, #tpu.memory_space<vmem>> -> memref<1x2048xf32, #tpu.memory_space<vmem>>
        %dma_start3A_182 = tpu.memref_squeeze %dma_start3A_181 : memref<1x2048xf32, #tpu.memory_space<vmem>> -> memref<2048xf32, #tpu.memory_space<vmem>>
        %dma_start3A_183 = tpu.memref_slice %arg2[%add3A_174] : memref<3276800xf32, #tpu.memory_space<hbm>> -> memref<2048xf32, #tpu.memory_space<hbm>>
        tpu.enqueue_dma source(%dma_start3A_183 : memref<2048xf32, #tpu.memory_space<hbm>>) target(%dma_start3A_182 : memref<2048xf32, #tpu.memory_space<vmem>>) target_semaphore(%arg9 : memref<!tpu.dma_semaphore, #tpu.memory_space<semaphore_mem>>)
      } else {
      }
      %mul3A_88 = arith.constant 2048 : i32
      %mul3A_89 = arith.muli %add3A_79, %mul3A_88 : i32
      %add3A_90 = arith.addi %mul3A_2, %mul3A_89 : i32
      %dma_wait3A_91 = arith.constant 0 : i32
      %dma_wait3A_92 = arith.constant 0 : i32
      %dma_wait3A_93 = tpu.memref_slice %arg5[%dma_wait3A_91, %dma_wait3A_92] : memref<2x2048xf32, #tpu.memory_space<vmem>> -> memref<1x2048xf32, #tpu.memory_space<vmem>>
      %dma_wait3A_94 = tpu.memref_squeeze %dma_wait3A_93 : memref<1x2048xf32, #tpu.memory_space<vmem>> -> memref<2048xf32, #tpu.memory_space<vmem>>
      %dma_wait3A_95 = tpu.memref_slice %arg2[%add3A_90] : memref<3276800xf32, #tpu.memory_space<hbm>> -> memref<2048xf32, #tpu.memory_space<hbm>>
      %dma_wait3A_96 = arith.constant 0 : i32
      %dma_wait3A_97 = tpu.memref_slice %arg5[%dma_wait3A_91, %dma_wait3A_96] : memref<2x2048xf32, #tpu.memory_space<vmem>> -> memref<1x2048xf32, #tpu.memory_space<vmem>>
      %dma_wait3A_98 = tpu.memref_squeeze %dma_wait3A_97 : memref<1x2048xf32, #tpu.memory_space<vmem>> -> memref<2048xf32, #tpu.memory_space<vmem>>
      %dma_wait3A_99 = tpu.memref_slice %arg2[%add3A_90] : memref<3276800xf32, #tpu.memory_space<hbm>> -> memref<2048xf32, #tpu.memory_space<hbm>>
      tpu.wait_dma2 semaphore(%arg8 : memref<!tpu.dma_semaphore, #tpu.memory_space<semaphore_mem>>) src(%dma_wait3A_99 : memref<2048xf32, #tpu.memory_space<hbm>>) dst(%dma_wait3A_98 : memref<2048xf32, #tpu.memory_space<vmem>>)
      %scan3A_100 = arith.constant 0 : i32
      %scan3A_101 = arith.constant 128 : i32
      %scan3A_102 = arith.addi %scan3A_100, %scan3A_101 : i32
      %scan3A_103 = arith.constant 4 : i32
      scf.for %scan3A_170 = %scan3A_100 to %scan3A_102 step %scan3A_103  : i32 {
        %mul3A_171 = arith.constant 1 : i32
        %mul3A_172 = arith.muli %scan3A_170, %mul3A_171 : i32
        %add3A_173 = arith.constant 0 : i32
        %add3A_174 = arith.addi %add3A_173, %mul3A_172 : i32
        %mul3A_175 = arith.constant 16 : i32
        %mul3A_176 = arith.muli %add3A_174, %mul3A_175 : i32
        %get3A = arith.constant 0 : i32
        %get3A_177 = arith.index_cast %get3A : i32 to index
        %get3A_178 = arith.index_cast %mul3A_176 : i32 to index
        %get3A_179 = tpu.vector_load %arg5[%get3A_177, %get3A_178] {strides = array<i32>} : memref<2x2048xf32, #tpu.memory_space<vmem>>, vector<1x16xf32>,
        %get3A_180 = vector.shape_cast %get3A_179 : vector<1x16xf32> to vector<16xf32>
        %mul3A_181 = arith.constant 1.000000e+05 : f32
        %mul3A_182 = vector.broadcast %mul3A_181 : f32 to vector<16xf32>
        %mul3A_183 = arith.mulf %get3A_180, %mul3A_182 : vector<16xf32>
        %max3A = arith.constant 0.000000e+00 : f32
        %max3A_184 = vector.broadcast %max3A : f32 to vector<16xf32>
        %max3A_185 = arith.maximumf %mul3A_183, %max3A_184 : vector<16xf32>
        %min3A = arith.constant 1.000000e+05 : f32
        %min3A_186 = vector.broadcast %min3A : f32 to vector<16xf32>
        %min3A_187 = arith.minimumf %max3A_185, %min3A_186 : vector<16xf32>
        %convert_element_type3A_188 = arith.fptosi %min3A_187 : vector<16xf32> to vector<16xi32>
        %mul3A_189 = arith.constant 16 : i32
        %mul3A_190 = arith.muli %add3A_174, %mul3A_189 : i32
        %swap3A = arith.constant 0 : i32
        %swap3A_191 = arith.index_cast %swap3A : i32 to index
        %swap3A_192 = arith.index_cast %mul3A_190 : i32 to index
        %swap3A_193 = tpu.vector_load %arg6[%swap3A_191, %swap3A_192] {strides = array<i32>} : memref<2x2048xi32, #tpu.memory_space<vmem>>, vector<1x16xi32>,
        %swap3A_194 = vector.shape_cast %swap3A_193 : vector<1x16xi32> to vector<16xi32>
        %swap3A_195 = vector.shape_cast %convert_element_type3A_188 : vector<16xi32> to vector<1x16xi32>
        tpu.vector_store %arg6[%swap3A_191, %swap3A_192], %swap3A_195 {strides = array<i32>} : memref<2x2048xi32, #tpu.memory_space<vmem>>, vector<1x16xi32>,
        %scan3A_196 = arith.constant 1 : i32
        %scan3A_197 = arith.addi %scan3A_170, %scan3A_196 : i32
        %mul3A_198 = arith.constant 1 : i32
        %mul3A_199 = arith.muli %scan3A_197, %mul3A_198 : i32
        %add3A_200 = arith.constant 0 : i32
        %add3A_201 = arith.addi %add3A_200, %mul3A_199 : i32
        %mul3A_202 = arith.constant 16 : i32
        %mul3A_203 = arith.muli %add3A_201, %mul3A_202 : i32
        %get3A_204 = arith.constant 0 : i32
        %get3A_205 = arith.index_cast %get3A_204 : i32 to index
        %get3A_206 = arith.index_cast %mul3A_203 : i32 to index
        %get3A_207 = tpu.vector_load %arg5[%get3A_205, %get3A_206] {strides = array<i32>} : memref<2x2048xf32, #tpu.memory_space<vmem>>, vector<1x16xf32>,
        %get3A_208 = vector.shape_cast %get3A_207 : vector<1x16xf32> to vector<16xf32>
        %mul3A_209 = arith.constant 1.000000e+05 : f32
        %mul3A_210 = vector.broadcast %mul3A_209 : f32 to vector<16xf32>
        %mul3A_211 = arith.mulf %get3A_208, %mul3A_210 : vector<16xf32>
        %max3A_212 = arith.constant 0.000000e+00 : f32
        %max3A_213 = vector.broadcast %max3A_212 : f32 to vector<16xf32>
        %max3A_214 = arith.maximumf %mul3A_211, %max3A_213 : vector<16xf32>
        %min3A_215 = arith.constant 1.000000e+05 : f32
        %min3A_216 = vector.broadcast %min3A_215 : f32 to vector<16xf32>
        %min3A_217 = arith.minimumf %max3A_214, %min3A_216 : vector<16xf32>
        %convert_element_type3A_218 = arith.fptosi %min3A_217 : vector<16xf32> to vector<16xi32>
        %mul3A_219 = arith.constant 16 : i32
        %mul3A_220 = arith.muli %add3A_201, %mul3A_219 : i32
        %swap3A_221 = arith.constant 0 : i32
        %swap3A_222 = arith.index_cast %swap3A_221 : i32 to index
        %swap3A_223 = arith.index_cast %mul3A_220 : i32 to index
        %swap3A_224 = tpu.vector_load %arg6[%swap3A_222, %swap3A_223] {strides = array<i32>} : memref<2x2048xi32, #tpu.memory_space<vmem>>, vector<1x16xi32>,
        %swap3A_225 = vector.shape_cast %swap3A_224 : vector<1x16xi32> to vector<16xi32>
        %swap3A_226 = vector.shape_cast %convert_element_type3A_218 : vector<16xi32> to vector<1x16xi32>
        tpu.vector_store %arg6[%swap3A_222, %swap3A_223], %swap3A_226 {strides = array<i32>} : memref<2x2048xi32, #tpu.memory_space<vmem>>, vector<1x16xi32>,
        %scan3A_227 = arith.constant 2 : i32
        %scan3A_228 = arith.addi %scan3A_170, %scan3A_227 : i32
        %mul3A_229 = arith.constant 1 : i32
        %mul3A_230 = arith.muli %scan3A_228, %mul3A_229 : i32
        %add3A_231 = arith.constant 0 : i32
        %add3A_232 = arith.addi %add3A_231, %mul3A_230 : i32
        %mul3A_233 = arith.constant 16 : i32
        %mul3A_234 = arith.muli %add3A_232, %mul3A_233 : i32
        %get3A_235 = arith.constant 0 : i32
        %get3A_236 = arith.index_cast %get3A_235 : i32 to index
        %get3A_237 = arith.index_cast %mul3A_234 : i32 to index
        %get3A_238 = tpu.vector_load %arg5[%get3A_236, %get3A_237] {strides = array<i32>} : memref<2x2048xf32, #tpu.memory_space<vmem>>, vector<1x16xf32>,
        %get3A_239 = vector.shape_cast %get3A_238 : vector<1x16xf32> to vector<16xf32>
        %mul3A_240 = arith.constant 1.000000e+05 : f32
        %mul3A_241 = vector.broadcast %mul3A_240 : f32 to vector<16xf32>
        %mul3A_242 = arith.mulf %get3A_239, %mul3A_241 : vector<16xf32>
        %max3A_243 = arith.constant 0.000000e+00 : f32
        %max3A_244 = vector.broadcast %max3A_243 : f32 to vector<16xf32>
        %max3A_245 = arith.maximumf %mul3A_242, %max3A_244 : vector<16xf32>
        %min3A_246 = arith.constant 1.000000e+05 : f32
        %min3A_247 = vector.broadcast %min3A_246 : f32 to vector<16xf32>
        %min3A_248 = arith.minimumf %max3A_245, %min3A_247 : vector<16xf32>
        %convert_element_type3A_249 = arith.fptosi %min3A_248 : vector<16xf32> to vector<16xi32>
        %mul3A_250 = arith.constant 16 : i32
        %mul3A_251 = arith.muli %add3A_232, %mul3A_250 : i32
        %swap3A_252 = arith.constant 0 : i32
        %swap3A_253 = arith.index_cast %swap3A_252 : i32 to index
        %swap3A_254 = arith.index_cast %mul3A_251 : i32 to index
        %swap3A_255 = tpu.vector_load %arg6[%swap3A_253, %swap3A_254] {strides = array<i32>} : memref<2x2048xi32, #tpu.memory_space<vmem>>, vector<1x16xi32>,
        %swap3A_256 = vector.shape_cast %swap3A_255 : vector<1x16xi32> to vector<16xi32>
        %swap3A_257 = vector.shape_cast %convert_element_type3A_249 : vector<16xi32> to vector<1x16xi32>
        tpu.vector_store %arg6[%swap3A_253, %swap3A_254], %swap3A_257 {strides = array<i32>} : memref<2x2048xi32, #tpu.memory_space<vmem>>, vector<1x16xi32>,
        %scan3A_258 = arith.constant 3 : i32
        %scan3A_259 = arith.addi %scan3A_170, %scan3A_258 : i32
        %mul3A_260 = arith.constant 1 : i32
        %mul3A_261 = arith.muli %scan3A_259, %mul3A_260 : i32
        %add3A_262 = arith.constant 0 : i32
        %add3A_263 = arith.addi %add3A_262, %mul3A_261 : i32
        %mul3A_264 = arith.constant 16 : i32
        %mul3A_265 = arith.muli %add3A_263, %mul3A_264 : i32
        %get3A_266 = arith.constant 0 : i32
        %get3A_267 = arith.index_cast %get3A_266 : i32 to index
        %get3A_268 = arith.index_cast %mul3A_265 : i32 to index
        %get3A_269 = tpu.vector_load %arg5[%get3A_267, %get3A_268] {strides = array<i32>} : memref<2x2048xf32, #tpu.memory_space<vmem>>, vector<1x16xf32>,
        %get3A_270 = vector.shape_cast %get3A_269 : vector<1x16xf32> to vector<16xf32>
        %mul3A_271 = arith.constant 1.000000e+05 : f32
        %mul3A_272 = vector.broadcast %mul3A_271 : f32 to vector<16xf32>
        %mul3A_273 = arith.mulf %get3A_270, %mul3A_272 : vector<16xf32>
        %max3A_274 = arith.constant 0.000000e+00 : f32
        %max3A_275 = vector.broadcast %max3A_274 : f32 to vector<16xf32>
        %max3A_276 = arith.maximumf %mul3A_273, %max3A_275 : vector<16xf32>
        %min3A_277 = arith.constant 1.000000e+05 : f32
        %min3A_278 = vector.broadcast %min3A_277 : f32 to vector<16xf32>
        %min3A_279 = arith.minimumf %max3A_276, %min3A_278 : vector<16xf32>
        %convert_element_type3A_280 = arith.fptosi %min3A_279 : vector<16xf32> to vector<16xi32>
        %mul3A_281 = arith.constant 16 : i32
        %mul3A_282 = arith.muli %add3A_263, %mul3A_281 : i32
        %swap3A_283 = arith.constant 0 : i32
        %swap3A_284 = arith.index_cast %swap3A_283 : i32 to index
        %swap3A_285 = arith.index_cast %mul3A_282 : i32 to index
        %swap3A_286 = tpu.vector_load %arg6[%swap3A_284, %swap3A_285] {strides = array<i32>} : memref<2x2048xi32, #tpu.memory_space<vmem>>, vector<1x16xi32>,
        %swap3A_287 = vector.shape_cast %swap3A_286 : vector<1x16xi32> to vector<16xi32>
        %swap3A_288 = vector.shape_cast %convert_element_type3A_280 : vector<16xi32> to vector<1x16xi32>
        tpu.vector_store %arg6[%swap3A_284, %swap3A_285], %swap3A_288 {strides = array<i32>} : memref<2x2048xi32, #tpu.memory_space<vmem>>, vector<1x16xi32>,
      }
      %scan3A_104 = arith.constant 128 : i32
      %dma_start3A_105 = arith.constant 0 : i32
      %dma_start3A_106 = arith.constant 0 : i32
      %dma_start3A_107 = arith.constant 0 : i32
      %dma_start3A_108 = arith.constant 0 : i32
      %dma_start3A_109 = tpu.memref_slice %arg7[%dma_start3A_106, %dma_start3A_107, %dma_start3A_108] : memref<2x2048x16xf32, #tpu.memory_space<vmem>> -> memref<1x2048x16xf32, #tpu.memory_space<vmem>>
      %dma_start3A_110 = tpu.memref_squeeze %dma_start3A_109 : memref<1x2048x16xf32, #tpu.memory_space<vmem>> -> memref<2048x16xf32, #tpu.memory_space<vmem>>
      %dma_start3A_111 = arith.constant 0 : i32
      %dma_start3A_112 = tpu.memref_slice %arg6[%dma_start3A_105, %dma_start3A_111] : memref<2x2048xi32, #tpu.memory_space<vmem>> -> memref<1x2048xi32, #tpu.memory_space<vmem>>
      %dma_start3A_113 = tpu.memref_squeeze %dma_start3A_112 : memref<1x2048xi32, #tpu.memory_space<vmem>> -> memref<2048xi32, #tpu.memory_space<vmem>>
      %dma_start3A_114 = arith.constant 0 : i32
      %dma_start3A_115 = arith.constant 0 : i32
      %dma_start3A_116 = tpu.memref_slice %arg3[%dma_start3A_114, %dma_start3A_115] : memref<100001x16xf32, #tpu.memory_space<hbm>> -> memref<100001x16xf32, #tpu.memory_space<hbm>>
      tpu.enqueue_indirect_dma source(%dma_start3A_116 : memref<100001x16xf32, #tpu.memory_space<hbm>>) target(%dma_start3A_110 : memref<2048x16xf32, #tpu.memory_space<vmem>>) offsets(%dma_start3A_113 : memref<2048xi32, #tpu.memory_space<vmem>>) semaphore(%arg10 : memref<!tpu.dma_semaphore, #tpu.memory_space<semaphore_mem>>)
      %ge3A_117 = arith.constant 1 : i32
      %ge3A_118 = arith.cmpi sge, %add3A_79, %ge3A_117 : i32
      %convert_element_type3A_119 = arith.extui %ge3A_118 : i1 to i32
      %cond3A_120 = arith.constant 0 : i32
      %cond3A_121 = arith.cmpi ne, %convert_element_type3A_119, %cond3A_120 : i32
      scf.if %cond3A_121 {
        %dma_wait3A_170 = arith.constant 1 : i32
        %dma_wait3A_171 = arith.constant 1 : i32
        %dma_wait3A_172 = arith.constant 0 : i32
        %dma_wait3A_173 = arith.constant 0 : i32
        %dma_wait3A_174 = tpu.memref_slice %arg7[%dma_wait3A_171, %dma_wait3A_172, %dma_wait3A_173] : memref<2x2048x16xf32, #tpu.memory_space<vmem>> -> memref<1x2048x16xf32, #tpu.memory_space<vmem>>
        %dma_wait3A_175 = tpu.memref_squeeze %dma_wait3A_174 : memref<1x2048x16xf32, #tpu.memory_space<vmem>> -> memref<2048x16xf32, #tpu.memory_space<vmem>>
        %dma_wait3A_176 = arith.constant 0 : i32
        %dma_wait3A_177 = tpu.memref_slice %arg6[%dma_wait3A_170, %dma_wait3A_176] : memref<2x2048xi32, #tpu.memory_space<vmem>> -> memref<1x2048xi32, #tpu.memory_space<vmem>>
        %dma_wait3A_178 = tpu.memref_squeeze %dma_wait3A_177 : memref<1x2048xi32, #tpu.memory_space<vmem>> -> memref<2048xi32, #tpu.memory_space<vmem>>
        %dma_wait3A_179 = arith.constant 0 : i32
        %dma_wait3A_180 = arith.constant 0 : i32
        %dma_wait3A_181 = tpu.memref_slice %arg3[%dma_wait3A_179, %dma_wait3A_180] : memref<100001x16xf32, #tpu.memory_space<hbm>> -> memref<100001x16xf32, #tpu.memory_space<hbm>>
        tpu.wait_indirect_dma semaphore(%arg11 : memref<!tpu.dma_semaphore, #tpu.memory_space<semaphore_mem>>) src(%dma_wait3A_181 : memref<100001x16xf32, #tpu.memory_space<hbm>>) dst(%dma_wait3A_175 : memref<2048x16xf32, #tpu.memory_space<vmem>>)
        %sub3A = arith.constant 1 : i32
        %sub3A_182 = arith.subi %add3A_79, %sub3A : i32
        %mul3A_183 = arith.constant 2048 : i32
        %mul3A_184 = arith.muli %sub3A_182, %mul3A_183 : i32
        %add3A_185 = arith.addi %mul3A_2, %mul3A_184 : i32
        %dma_start3A_186 = arith.constant 1 : i32
        %dma_start3A_187 = arith.constant 0 : i32
        %dma_start3A_188 = arith.constant 0 : i32
        %dma_start3A_189 = tpu.memref_slice %arg7[%dma_start3A_186, %dma_start3A_187, %dma_start3A_188] : memref<2x2048x16xf32, #tpu.memory_space<vmem>> -> memref<1x2048x16xf32, #tpu.memory_space<vmem>>
        %dma_start3A_190 = tpu.memref_squeeze %dma_start3A_189 : memref<1x2048x16xf32, #tpu.memory_space<vmem>> -> memref<2048x16xf32, #tpu.memory_space<vmem>>
        %dma_start3A_191 = arith.constant 0 : i32
        %dma_start3A_192 = tpu.memref_slice %arg4[%add3A_185, %dma_start3A_191] : memref<3276800x16xf32, #tpu.memory_space<hbm>> -> memref<2048x16xf32, #tpu.memory_space<hbm>>
        %dma_start3A_193 = arith.constant 0 : i32
        %dma_start3A_194 = tpu.memref_slice %arg4[%add3A_185, %dma_start3A_193] : memref<3276800x16xf32, #tpu.memory_space<hbm>> -> memref<2048x16xf32, #tpu.memory_space<hbm>>
        %dma_start3A_195 = arith.constant 0 : i32
        %dma_start3A_196 = arith.constant 0 : i32
        %dma_start3A_197 = tpu.memref_slice %arg7[%dma_start3A_186, %dma_start3A_195, %dma_start3A_196] : memref<2x2048x16xf32, #tpu.memory_space<vmem>> -> memref<1x2048x16xf32, #tpu.memory_space<vmem>>
        %dma_start3A_198 = tpu.memref_squeeze %dma_start3A_197 : memref<1x2048x16xf32, #tpu.memory_space<vmem>> -> memref<2048x16xf32, #tpu.memory_space<vmem>>
        tpu.enqueue_dma source(%dma_start3A_198 : memref<2048x16xf32, #tpu.memory_space<vmem>>) target(%dma_start3A_194 : memref<2048x16xf32, #tpu.memory_space<hbm>>) target_semaphore(%arg13 : memref<!tpu.dma_semaphore, #tpu.memory_space<semaphore_mem>>)
      } else {
      }
      %add3A_122 = arith.constant 1 : i32
      %add3A_123 = arith.addi %add3A_77, %add3A_122 : i32
      %ge3A_124 = arith.constant 1 : i32
      %ge3A_125 = arith.cmpi sge, %add3A_77, %ge3A_124 : i32
      %convert_element_type3A_126 = arith.extui %ge3A_125 : i1 to i32
      %cond3A_127 = arith.constant 0 : i32
      %cond3A_128 = arith.cmpi ne, %convert_element_type3A_126, %cond3A_127 : i32
      scf.if %cond3A_128 {
        %sub3A = arith.constant 2 : i32
        %sub3A_170 = arith.subi %add3A_123, %sub3A : i32
        %mul3A_171 = arith.constant 2048 : i32
        %mul3A_172 = arith.muli %sub3A_170, %mul3A_171 : i32
        %add3A_173 = arith.addi %mul3A_2, %mul3A_172 : i32
        %dma_wait3A_174 = arith.constant 1 : i32
        %dma_wait3A_175 = arith.constant 0 : i32
        %dma_wait3A_176 = arith.constant 0 : i32
        %dma_wait3A_177 = tpu.memref_slice %arg7[%dma_wait3A_174, %dma_wait3A_175, %dma_wait3A_176] : memref<2x2048x16xf32, #tpu.memory_space<vmem>> -> memref<1x2048x16xf32, #tpu.memory_space<vmem>>
        %dma_wait3A_178 = tpu.memref_squeeze %dma_wait3A_177 : memref<1x2048x16xf32, #tpu.memory_space<vmem>> -> memref<2048x16xf32, #tpu.memory_space<vmem>>
        %dma_wait3A_179 = arith.constant 0 : i32
        %dma_wait3A_180 = tpu.memref_slice %arg4[%add3A_173, %dma_wait3A_179] : memref<3276800x16xf32, #tpu.memory_space<hbm>> -> memref<2048x16xf32, #tpu.memory_space<hbm>>
        %dma_wait3A_181 = arith.constant 0 : i32
        %dma_wait3A_182 = tpu.memref_slice %arg4[%add3A_173, %dma_wait3A_181] : memref<3276800x16xf32, #tpu.memory_space<hbm>> -> memref<2048x16xf32, #tpu.memory_space<hbm>>
        %dma_wait3A_183 = arith.constant 0 : i32
        %dma_wait3A_184 = arith.constant 0 : i32
        %dma_wait3A_185 = tpu.memref_slice %arg7[%dma_wait3A_174, %dma_wait3A_183, %dma_wait3A_184] : memref<2x2048x16xf32, #tpu.memory_space<vmem>> -> memref<1x2048x16xf32, #tpu.memory_space<vmem>>
        %dma_wait3A_186 = tpu.memref_squeeze %dma_wait3A_185 : memref<1x2048x16xf32, #tpu.memory_space<vmem>> -> memref<2048x16xf32, #tpu.memory_space<vmem>>
        tpu.wait_dma2 semaphore(%arg13 : memref<!tpu.dma_semaphore, #tpu.memory_space<semaphore_mem>>) src(%dma_wait3A_186 : memref<2048x16xf32, #tpu.memory_space<vmem>>) dst(%dma_wait3A_182 : memref<2048x16xf32, #tpu.memory_space<hbm>>)
      } else {
      }
      %add3A_129 = arith.constant 1 : i32
      %add3A_130 = arith.addi %add3A_123, %add3A_129 : i32
      %lt3A_131 = arith.constant 50 : i32
      %lt3A_132 = arith.cmpi slt, %add3A_130, %lt3A_131 : i32
      %convert_element_type3A_133 = arith.extui %lt3A_132 : i1 to i32
      %cond3A_134 = arith.constant 0 : i32
      %cond3A_135 = arith.cmpi ne, %convert_element_type3A_133, %cond3A_134 : i32
      scf.if %cond3A_135 {
        %add3A_170 = arith.constant 1 : i32
        %add3A_171 = arith.addi %add3A_123, %add3A_170 : i32
        %mul3A_172 = arith.constant 2048 : i32
        %mul3A_173 = arith.muli %add3A_171, %mul3A_172 : i32
        %add3A_174 = arith.addi %mul3A_2, %mul3A_173 : i32
        %dma_start3A_175 = arith.constant 0 : i32
        %dma_start3A_176 = arith.constant 0 : i32
        %dma_start3A_177 = tpu.memref_slice %arg5[%dma_start3A_175, %dma_start3A_176] : memref<2x2048xf32, #tpu.memory_space<vmem>> -> memref<1x2048xf32, #tpu.memory_space<vmem>>
        %dma_start3A_178 = tpu.memref_squeeze %dma_start3A_177 : memref<1x2048xf32, #tpu.memory_space<vmem>> -> memref<2048xf32, #tpu.memory_space<vmem>>
        %dma_start3A_179 = tpu.memref_slice %arg2[%add3A_174] : memref<3276800xf32, #tpu.memory_space<hbm>> -> memref<2048xf32, #tpu.memory_space<hbm>>
        %dma_start3A_180 = arith.constant 0 : i32
        %dma_start3A_181 = tpu.memref_slice %arg5[%dma_start3A_175, %dma_start3A_180] : memref<2x2048xf32, #tpu.memory_space<vmem>> -> memref<1x2048xf32, #tpu.memory_space<vmem>>
        %dma_start3A_182 = tpu.memref_squeeze %dma_start3A_181 : memref<1x2048xf32, #tpu.memory_space<vmem>> -> memref<2048xf32, #tpu.memory_space<vmem>>
        %dma_start3A_183 = tpu.memref_slice %arg2[%add3A_174] : memref<3276800xf32, #tpu.memory_space<hbm>> -> memref<2048xf32, #tpu.memory_space<hbm>>
        tpu.enqueue_dma source(%dma_start3A_183 : memref<2048xf32, #tpu.memory_space<hbm>>) target(%dma_start3A_182 : memref<2048xf32, #tpu.memory_space<vmem>>) target_semaphore(%arg8 : memref<!tpu.dma_semaphore, #tpu.memory_space<semaphore_mem>>)
      } else {
      }
      %mul3A_136 = arith.constant 2048 : i32
      %mul3A_137 = arith.muli %add3A_123, %mul3A_136 : i32
      %add3A_138 = arith.addi %mul3A_2, %mul3A_137 : i32
      %dma_wait3A_139 = arith.constant 1 : i32
      %dma_wait3A_140 = arith.constant 0 : i32
      %dma_wait3A_141 = tpu.memref_slice %arg5[%dma_wait3A_139, %dma_wait3A_140] : memref<2x2048xf32, #tpu.memory_space<vmem>> -> memref<1x2048xf32, #tpu.memory_space<vmem>>
      %dma_wait3A_142 = tpu.memref_squeeze %dma_wait3A_141 : memref<1x2048xf32, #tpu.memory_space<vmem>> -> memref<2048xf32, #tpu.memory_space<vmem>>
      %dma_wait3A_143 = tpu.memref_slice %arg2[%add3A_138] : memref<3276800xf32, #tpu.memory_space<hbm>> -> memref<2048xf32, #tpu.memory_space<hbm>>
      %dma_wait3A_144 = arith.constant 0 : i32
      %dma_wait3A_145 = tpu.memref_slice %arg5[%dma_wait3A_139, %dma_wait3A_144] : memref<2x2048xf32, #tpu.memory_space<vmem>> -> memref<1x2048xf32, #tpu.memory_space<vmem>>
      %dma_wait3A_146 = tpu.memref_squeeze %dma_wait3A_145 : memref<1x2048xf32, #tpu.memory_space<vmem>> -> memref<2048xf32, #tpu.memory_space<vmem>>
      %dma_wait3A_147 = tpu.memref_slice %arg2[%add3A_138] : memref<3276800xf32, #tpu.memory_space<hbm>> -> memref<2048xf32, #tpu.memory_space<hbm>>
      tpu.wait_dma2 semaphore(%arg9 : memref<!tpu.dma_semaphore, #tpu.memory_space<semaphore_mem>>) src(%dma_wait3A_147 : memref<2048xf32, #tpu.memory_space<hbm>>) dst(%dma_wait3A_146 : memref<2048xf32, #tpu.memory_space<vmem>>)
      %scan3A_148 = arith.constant 0 : i32
      %scan3A_149 = arith.constant 128 : i32
      %scan3A_150 = arith.addi %scan3A_148, %scan3A_149 : i32
      %scan3A_151 = arith.constant 4 : i32
      scf.for %scan3A_170 = %scan3A_148 to %scan3A_150 step %scan3A_151  : i32 {
        %mul3A_171 = arith.constant 1 : i32
        %mul3A_172 = arith.muli %scan3A_170, %mul3A_171 : i32
        %add3A_173 = arith.constant 0 : i32
        %add3A_174 = arith.addi %add3A_173, %mul3A_172 : i32
        %mul3A_175 = arith.constant 16 : i32
        %mul3A_176 = arith.muli %add3A_174, %mul3A_175 : i32
        %get3A = arith.constant 1 : i32
        %get3A_177 = arith.index_cast %get3A : i32 to index
        %get3A_178 = arith.index_cast %mul3A_176 : i32 to index
        %get3A_179 = tpu.vector_load %arg5[%get3A_177, %get3A_178] {strides = array<i32>} : memref<2x2048xf32, #tpu.memory_space<vmem>>, vector<1x16xf32>,
        %get3A_180 = vector.shape_cast %get3A_179 : vector<1x16xf32> to vector<16xf32>
        %mul3A_181 = arith.constant 1.000000e+05 : f32
        %mul3A_182 = vector.broadcast %mul3A_181 : f32 to vector<16xf32>
        %mul3A_183 = arith.mulf %get3A_180, %mul3A_182 : vector<16xf32>
        %max3A = arith.constant 0.000000e+00 : f32
        %max3A_184 = vector.broadcast %max3A : f32 to vector<16xf32>
        %max3A_185 = arith.maximumf %mul3A_183, %max3A_184 : vector<16xf32>
        %min3A = arith.constant 1.000000e+05 : f32
        %min3A_186 = vector.broadcast %min3A : f32 to vector<16xf32>
        %min3A_187 = arith.minimumf %max3A_185, %min3A_186 : vector<16xf32>
        %convert_element_type3A_188 = arith.fptosi %min3A_187 : vector<16xf32> to vector<16xi32>
        %mul3A_189 = arith.constant 16 : i32
        %mul3A_190 = arith.muli %add3A_174, %mul3A_189 : i32
        %swap3A = arith.constant 1 : i32
        %swap3A_191 = arith.index_cast %swap3A : i32 to index
        %swap3A_192 = arith.index_cast %mul3A_190 : i32 to index
        %swap3A_193 = tpu.vector_load %arg6[%swap3A_191, %swap3A_192] {strides = array<i32>} : memref<2x2048xi32, #tpu.memory_space<vmem>>, vector<1x16xi32>,
        %swap3A_194 = vector.shape_cast %swap3A_193 : vector<1x16xi32> to vector<16xi32>
        %swap3A_195 = vector.shape_cast %convert_element_type3A_188 : vector<16xi32> to vector<1x16xi32>
        tpu.vector_store %arg6[%swap3A_191, %swap3A_192], %swap3A_195 {strides = array<i32>} : memref<2x2048xi32, #tpu.memory_space<vmem>>, vector<1x16xi32>,
        %scan3A_196 = arith.constant 1 : i32
        %scan3A_197 = arith.addi %scan3A_170, %scan3A_196 : i32
        %mul3A_198 = arith.constant 1 : i32
        %mul3A_199 = arith.muli %scan3A_197, %mul3A_198 : i32
        %add3A_200 = arith.constant 0 : i32
        %add3A_201 = arith.addi %add3A_200, %mul3A_199 : i32
        %mul3A_202 = arith.constant 16 : i32
        %mul3A_203 = arith.muli %add3A_201, %mul3A_202 : i32
        %get3A_204 = arith.constant 1 : i32
        %get3A_205 = arith.index_cast %get3A_204 : i32 to index
        %get3A_206 = arith.index_cast %mul3A_203 : i32 to index
        %get3A_207 = tpu.vector_load %arg5[%get3A_205, %get3A_206] {strides = array<i32>} : memref<2x2048xf32, #tpu.memory_space<vmem>>, vector<1x16xf32>,
        %get3A_208 = vector.shape_cast %get3A_207 : vector<1x16xf32> to vector<16xf32>
        %mul3A_209 = arith.constant 1.000000e+05 : f32
        %mul3A_210 = vector.broadcast %mul3A_209 : f32 to vector<16xf32>
        %mul3A_211 = arith.mulf %get3A_208, %mul3A_210 : vector<16xf32>
        %max3A_212 = arith.constant 0.000000e+00 : f32
        %max3A_213 = vector.broadcast %max3A_212 : f32 to vector<16xf32>
        %max3A_214 = arith.maximumf %mul3A_211, %max3A_213 : vector<16xf32>
        %min3A_215 = arith.constant 1.000000e+05 : f32
        %min3A_216 = vector.broadcast %min3A_215 : f32 to vector<16xf32>
        %min3A_217 = arith.minimumf %max3A_214, %min3A_216 : vector<16xf32>
        %convert_element_type3A_218 = arith.fptosi %min3A_217 : vector<16xf32> to vector<16xi32>
        %mul3A_219 = arith.constant 16 : i32
        %mul3A_220 = arith.muli %add3A_201, %mul3A_219 : i32
        %swap3A_221 = arith.constant 1 : i32
        %swap3A_222 = arith.index_cast %swap3A_221 : i32 to index
        %swap3A_223 = arith.index_cast %mul3A_220 : i32 to index
        %swap3A_224 = tpu.vector_load %arg6[%swap3A_222, %swap3A_223] {strides = array<i32>} : memref<2x2048xi32, #tpu.memory_space<vmem>>, vector<1x16xi32>,
        %swap3A_225 = vector.shape_cast %swap3A_224 : vector<1x16xi32> to vector<16xi32>
        %swap3A_226 = vector.shape_cast %convert_element_type3A_218 : vector<16xi32> to vector<1x16xi32>
        tpu.vector_store %arg6[%swap3A_222, %swap3A_223], %swap3A_226 {strides = array<i32>} : memref<2x2048xi32, #tpu.memory_space<vmem>>, vector<1x16xi32>,
        %scan3A_227 = arith.constant 2 : i32
        %scan3A_228 = arith.addi %scan3A_170, %scan3A_227 : i32
        %mul3A_229 = arith.constant 1 : i32
        %mul3A_230 = arith.muli %scan3A_228, %mul3A_229 : i32
        %add3A_231 = arith.constant 0 : i32
        %add3A_232 = arith.addi %add3A_231, %mul3A_230 : i32
        %mul3A_233 = arith.constant 16 : i32
        %mul3A_234 = arith.muli %add3A_232, %mul3A_233 : i32
        %get3A_235 = arith.constant 1 : i32
        %get3A_236 = arith.index_cast %get3A_235 : i32 to index
        %get3A_237 = arith.index_cast %mul3A_234 : i32 to index
        %get3A_238 = tpu.vector_load %arg5[%get3A_236, %get3A_237] {strides = array<i32>} : memref<2x2048xf32, #tpu.memory_space<vmem>>, vector<1x16xf32>,
        %get3A_239 = vector.shape_cast %get3A_238 : vector<1x16xf32> to vector<16xf32>
        %mul3A_240 = arith.constant 1.000000e+05 : f32
        %mul3A_241 = vector.broadcast %mul3A_240 : f32 to vector<16xf32>
        %mul3A_242 = arith.mulf %get3A_239, %mul3A_241 : vector<16xf32>
        %max3A_243 = arith.constant 0.000000e+00 : f32
        %max3A_244 = vector.broadcast %max3A_243 : f32 to vector<16xf32>
        %max3A_245 = arith.maximumf %mul3A_242, %max3A_244 : vector<16xf32>
        %min3A_246 = arith.constant 1.000000e+05 : f32
        %min3A_247 = vector.broadcast %min3A_246 : f32 to vector<16xf32>
        %min3A_248 = arith.minimumf %max3A_245, %min3A_247 : vector<16xf32>
        %convert_element_type3A_249 = arith.fptosi %min3A_248 : vector<16xf32> to vector<16xi32>
        %mul3A_250 = arith.constant 16 : i32
        %mul3A_251 = arith.muli %add3A_232, %mul3A_250 : i32
        %swap3A_252 = arith.constant 1 : i32
        %swap3A_253 = arith.index_cast %swap3A_252 : i32 to index
        %swap3A_254 = arith.index_cast %mul3A_251 : i32 to index
        %swap3A_255 = tpu.vector_load %arg6[%swap3A_253, %swap3A_254] {strides = array<i32>} : memref<2x2048xi32, #tpu.memory_space<vmem>>, vector<1x16xi32>,
        %swap3A_256 = vector.shape_cast %swap3A_255 : vector<1x16xi32> to vector<16xi32>
        %swap3A_257 = vector.shape_cast %convert_element_type3A_249 : vector<16xi32> to vector<1x16xi32>
        tpu.vector_store %arg6[%swap3A_253, %swap3A_254], %swap3A_257 {strides = array<i32>} : memref<2x2048xi32, #tpu.memory_space<vmem>>, vector<1x16xi32>,
        %scan3A_258 = arith.constant 3 : i32
        %scan3A_259 = arith.addi %scan3A_170, %scan3A_258 : i32
        %mul3A_260 = arith.constant 1 : i32
        %mul3A_261 = arith.muli %scan3A_259, %mul3A_260 : i32
        %add3A_262 = arith.constant 0 : i32
        %add3A_263 = arith.addi %add3A_262, %mul3A_261 : i32
        %mul3A_264 = arith.constant 16 : i32
        %mul3A_265 = arith.muli %add3A_263, %mul3A_264 : i32
        %get3A_266 = arith.constant 1 : i32
        %get3A_267 = arith.index_cast %get3A_266 : i32 to index
        %get3A_268 = arith.index_cast %mul3A_265 : i32 to index
        %get3A_269 = tpu.vector_load %arg5[%get3A_267, %get3A_268] {strides = array<i32>} : memref<2x2048xf32, #tpu.memory_space<vmem>>, vector<1x16xf32>,
        %get3A_270 = vector.shape_cast %get3A_269 : vector<1x16xf32> to vector<16xf32>
        %mul3A_271 = arith.constant 1.000000e+05 : f32
        %mul3A_272 = vector.broadcast %mul3A_271 : f32 to vector<16xf32>
        %mul3A_273 = arith.mulf %get3A_270, %mul3A_272 : vector<16xf32>
        %max3A_274 = arith.constant 0.000000e+00 : f32
        %max3A_275 = vector.broadcast %max3A_274 : f32 to vector<16xf32>
        %max3A_276 = arith.maximumf %mul3A_273, %max3A_275 : vector<16xf32>
        %min3A_277 = arith.constant 1.000000e+05 : f32
        %min3A_278 = vector.broadcast %min3A_277 : f32 to vector<16xf32>
        %min3A_279 = arith.minimumf %max3A_276, %min3A_278 : vector<16xf32>
        %convert_element_type3A_280 = arith.fptosi %min3A_279 : vector<16xf32> to vector<16xi32>
        %mul3A_281 = arith.constant 16 : i32
        %mul3A_282 = arith.muli %add3A_263, %mul3A_281 : i32
        %swap3A_283 = arith.constant 1 : i32
        %swap3A_284 = arith.index_cast %swap3A_283 : i32 to index
        %swap3A_285 = arith.index_cast %mul3A_282 : i32 to index
        %swap3A_286 = tpu.vector_load %arg6[%swap3A_284, %swap3A_285] {strides = array<i32>} : memref<2x2048xi32, #tpu.memory_space<vmem>>, vector<1x16xi32>,
        %swap3A_287 = vector.shape_cast %swap3A_286 : vector<1x16xi32> to vector<16xi32>
        %swap3A_288 = vector.shape_cast %convert_element_type3A_280 : vector<16xi32> to vector<1x16xi32>
        tpu.vector_store %arg6[%swap3A_284, %swap3A_285], %swap3A_288 {strides = array<i32>} : memref<2x2048xi32, #tpu.memory_space<vmem>>, vector<1x16xi32>,
      }
      %scan3A_152 = arith.constant 128 : i32
      %dma_start3A_153 = arith.constant 1 : i32
      %dma_start3A_154 = arith.constant 1 : i32
      %dma_start3A_155 = arith.constant 0 : i32
      %dma_start3A_156 = arith.constant 0 : i32
      %dma_start3A_157 = tpu.memref_slice %arg7[%dma_start3A_154, %dma_start3A_155, %dma_start3A_156] : memref<2x2048x16xf32, #tpu.memory_space<vmem>> -> memref<1x2048x16xf32, #tpu.memory_space<vmem>>
      %dma_start3A_158 = tpu.memref_squeeze %dma_start3A_157 : memref<1x2048x16xf32, #tpu.memory_space<vmem>> -> memref<2048x16xf32, #tpu.memory_space<vmem>>
      %dma_start3A_159 = arith.constant 0 : i32
      %dma_start3A_160 = tpu.memref_slice %arg6[%dma_start3A_153, %dma_start3A_159] : memref<2x2048xi32, #tpu.memory_space<vmem>> -> memref<1x2048xi32, #tpu.memory_space<vmem>>
      %dma_start3A_161 = tpu.memref_squeeze %dma_start3A_160 : memref<1x2048xi32, #tpu.memory_space<vmem>> -> memref<2048xi32, #tpu.memory_space<vmem>>
      %dma_start3A_162 = arith.constant 0 : i32
      %dma_start3A_163 = arith.constant 0 : i32
      %dma_start3A_164 = tpu.memref_slice %arg3[%dma_start3A_162, %dma_start3A_163] : memref<100001x16xf32, #tpu.memory_space<hbm>> -> memref<100001x16xf32, #tpu.memory_space<hbm>>
      tpu.enqueue_indirect_dma source(%dma_start3A_164 : memref<100001x16xf32, #tpu.memory_space<hbm>>) target(%dma_start3A_158 : memref<2048x16xf32, #tpu.memory_space<vmem>>) offsets(%dma_start3A_161 : memref<2048xi32, #tpu.memory_space<vmem>>) semaphore(%arg11 : memref<!tpu.dma_semaphore, #tpu.memory_space<semaphore_mem>>)
      %ge3A_165 = arith.constant 1 : i32
      %ge3A_166 = arith.cmpi sge, %add3A_123, %ge3A_165 : i32
      %convert_element_type3A_167 = arith.extui %ge3A_166 : i1 to i32
      %cond3A_168 = arith.constant 0 : i32
      %cond3A_169 = arith.cmpi ne, %convert_element_type3A_167, %cond3A_168 : i32
      scf.if %cond3A_169 {
        %dma_wait3A_170 = arith.constant 0 : i32
        %dma_wait3A_171 = arith.constant 0 : i32
        %dma_wait3A_172 = arith.constant 0 : i32
        %dma_wait3A_173 = arith.constant 0 : i32
        %dma_wait3A_174 = tpu.memref_slice %arg7[%dma_wait3A_171, %dma_wait3A_172, %dma_wait3A_173] : memref<2x2048x16xf32, #tpu.memory_space<vmem>> -> memref<1x2048x16xf32, #tpu.memory_space<vmem>>
        %dma_wait3A_175 = tpu.memref_squeeze %dma_wait3A_174 : memref<1x2048x16xf32, #tpu.memory_space<vmem>> -> memref<2048x16xf32, #tpu.memory_space<vmem>>
        %dma_wait3A_176 = arith.constant 0 : i32
        %dma_wait3A_177 = tpu.memref_slice %arg6[%dma_wait3A_170, %dma_wait3A_176] : memref<2x2048xi32, #tpu.memory_space<vmem>> -> memref<1x2048xi32, #tpu.memory_space<vmem>>
        %dma_wait3A_178 = tpu.memref_squeeze %dma_wait3A_177 : memref<1x2048xi32, #tpu.memory_space<vmem>> -> memref<2048xi32, #tpu.memory_space<vmem>>
        %dma_wait3A_179 = arith.constant 0 : i32
        %dma_wait3A_180 = arith.constant 0 : i32
        %dma_wait3A_181 = tpu.memref_slice %arg3[%dma_wait3A_179, %dma_wait3A_180] : memref<100001x16xf32, #tpu.memory_space<hbm>> -> memref<100001x16xf32, #tpu.memory_space<hbm>>
        tpu.wait_indirect_dma semaphore(%arg10 : memref<!tpu.dma_semaphore, #tpu.memory_space<semaphore_mem>>) src(%dma_wait3A_181 : memref<100001x16xf32, #tpu.memory_space<hbm>>) dst(%dma_wait3A_175 : memref<2048x16xf32, #tpu.memory_space<vmem>>)
        %sub3A = arith.constant 1 : i32
        %sub3A_182 = arith.subi %add3A_123, %sub3A : i32
        %mul3A_183 = arith.constant 2048 : i32
        %mul3A_184 = arith.muli %sub3A_182, %mul3A_183 : i32
        %add3A_185 = arith.addi %mul3A_2, %mul3A_184 : i32
        %dma_start3A_186 = arith.constant 0 : i32
        %dma_start3A_187 = arith.constant 0 : i32
        %dma_start3A_188 = arith.constant 0 : i32
        %dma_start3A_189 = tpu.memref_slice %arg7[%dma_start3A_186, %dma_start3A_187, %dma_start3A_188] : memref<2x2048x16xf32, #tpu.memory_space<vmem>> -> memref<1x2048x16xf32, #tpu.memory_space<vmem>>
        %dma_start3A_190 = tpu.memref_squeeze %dma_start3A_189 : memref<1x2048x16xf32, #tpu.memory_space<vmem>> -> memref<2048x16xf32, #tpu.memory_space<vmem>>
        %dma_start3A_191 = arith.constant 0 : i32
        %dma_start3A_192 = tpu.memref_slice %arg4[%add3A_185, %dma_start3A_191] : memref<3276800x16xf32, #tpu.memory_space<hbm>> -> memref<2048x16xf32, #tpu.memory_space<hbm>>
        %dma_start3A_193 = arith.constant 0 : i32
        %dma_start3A_194 = tpu.memref_slice %arg4[%add3A_185, %dma_start3A_193] : memref<3276800x16xf32, #tpu.memory_space<hbm>> -> memref<2048x16xf32, #tpu.memory_space<hbm>>
        %dma_start3A_195 = arith.constant 0 : i32
        %dma_start3A_196 = arith.constant 0 : i32
        %dma_start3A_197 = tpu.memref_slice %arg7[%dma_start3A_186, %dma_start3A_195, %dma_start3A_196] : memref<2x2048x16xf32, #tpu.memory_space<vmem>> -> memref<1x2048x16xf32, #tpu.memory_space<vmem>>
        %dma_start3A_198 = tpu.memref_squeeze %dma_start3A_197 : memref<1x2048x16xf32, #tpu.memory_space<vmem>> -> memref<2048x16xf32, #tpu.memory_space<vmem>>
        tpu.enqueue_dma source(%dma_start3A_198 : memref<2048x16xf32, #tpu.memory_space<vmem>>) target(%dma_start3A_194 : memref<2048x16xf32, #tpu.memory_space<hbm>>) target_semaphore(%arg12 : memref<!tpu.dma_semaphore, #tpu.memory_space<semaphore_mem>>)
      } else {
      }
    }
    %scan3A_16 = arith.constant 25 : i32
    %dma_wait3A = arith.constant 1 : i32
    %dma_wait3A_17 = arith.constant 1 : i32
    %dma_wait3A_18 = arith.constant 0 : i32
    %dma_wait3A_19 = arith.constant 0 : i32
    %dma_wait3A_20 = tpu.memref_slice %arg7[%dma_wait3A_17, %dma_wait3A_18, %dma_wait3A_19] : memref<2x2048x16xf32, #tpu.memory_space<vmem>> -> memref<1x2048x16xf32, #tpu.memory_space<vmem>>
    %dma_wait3A_21 = tpu.memref_squeeze %dma_wait3A_20 : memref<1x2048x16xf32, #tpu.memory_space<vmem>> -> memref<2048x16xf32, #tpu.memory_space<vmem>>
    %dma_wait3A_22 = arith.constant 0 : i32
    %dma_wait3A_23 = tpu.memref_slice %arg6[%dma_wait3A, %dma_wait3A_22] : memref<2x2048xi32, #tpu.memory_space<vmem>> -> memref<1x2048xi32, #tpu.memory_space<vmem>>
    %dma_wait3A_24 = tpu.memref_squeeze %dma_wait3A_23 : memref<1x2048xi32, #tpu.memory_space<vmem>> -> memref<2048xi32, #tpu.memory_space<vmem>>
    %dma_wait3A_25 = arith.constant 0 : i32
    %dma_wait3A_26 = arith.constant 0 : i32
    %dma_wait3A_27 = tpu.memref_slice %arg3[%dma_wait3A_25, %dma_wait3A_26] : memref<100001x16xf32, #tpu.memory_space<hbm>> -> memref<100001x16xf32, #tpu.memory_space<hbm>>
    tpu.wait_indirect_dma semaphore(%arg11 : memref<!tpu.dma_semaphore, #tpu.memory_space<semaphore_mem>>) src(%dma_wait3A_27 : memref<100001x16xf32, #tpu.memory_space<hbm>>) dst(%dma_wait3A_21 : memref<2048x16xf32, #tpu.memory_space<vmem>>)
    %add3A_28 = arith.constant 100352 : i32
    %add3A_29 = arith.addi %mul3A_2, %add3A_28 : i32
    %dma_start3A_30 = arith.constant 1 : i32
    %dma_start3A_31 = arith.constant 0 : i32
    %dma_start3A_32 = arith.constant 0 : i32
    %dma_start3A_33 = tpu.memref_slice %arg7[%dma_start3A_30, %dma_start3A_31, %dma_start3A_32] : memref<2x2048x16xf32, #tpu.memory_space<vmem>> -> memref<1x2048x16xf32, #tpu.memory_space<vmem>>
    %dma_start3A_34 = tpu.memref_squeeze %dma_start3A_33 : memref<1x2048x16xf32, #tpu.memory_space<vmem>> -> memref<2048x16xf32, #tpu.memory_space<vmem>>
    %dma_start3A_35 = arith.constant 0 : i32
    %dma_start3A_36 = tpu.memref_slice %arg4[%add3A_29, %dma_start3A_35] : memref<3276800x16xf32, #tpu.memory_space<hbm>> -> memref<2048x16xf32, #tpu.memory_space<hbm>>
    %dma_start3A_37 = arith.constant 0 : i32
    %dma_start3A_38 = tpu.memref_slice %arg4[%add3A_29, %dma_start3A_37] : memref<3276800x16xf32, #tpu.memory_space<hbm>> -> memref<2048x16xf32, #tpu.memory_space<hbm>>
    %dma_start3A_39 = arith.constant 0 : i32
    %dma_start3A_40 = arith.constant 0 : i32
    %dma_start3A_41 = tpu.memref_slice %arg7[%dma_start3A_30, %dma_start3A_39, %dma_start3A_40] : memref<2x2048x16xf32, #tpu.memory_space<vmem>> -> memref<1x2048x16xf32, #tpu.memory_space<vmem>>
    %dma_start3A_42 = tpu.memref_squeeze %dma_start3A_41 : memref<1x2048x16xf32, #tpu.memory_space<vmem>> -> memref<2048x16xf32, #tpu.memory_space<vmem>>
    tpu.enqueue_dma source(%dma_start3A_42 : memref<2048x16xf32, #tpu.memory_space<vmem>>) target(%dma_start3A_38 : memref<2048x16xf32, #tpu.memory_space<hbm>>) target_semaphore(%arg13 : memref<!tpu.dma_semaphore, #tpu.memory_space<semaphore_mem>>)
    %add3A_43 = arith.constant 98304 : i32
    %add3A_44 = arith.addi %mul3A_2, %add3A_43 : i32
    %dma_wait3A_45 = arith.constant 0 : i32
    %dma_wait3A_46 = arith.constant 0 : i32
    %dma_wait3A_47 = arith.constant 0 : i32
    %dma_wait3A_48 = tpu.memref_slice %arg7[%dma_wait3A_45, %dma_wait3A_46, %dma_wait3A_47] : memref<2x2048x16xf32, #tpu.memory_space<vmem>> -> memref<1x2048x16xf32, #tpu.memory_space<vmem>>
    %dma_wait3A_49 = tpu.memref_squeeze %dma_wait3A_48 : memref<1x2048x16xf32, #tpu.memory_space<vmem>> -> memref<2048x16xf32, #tpu.memory_space<vmem>>
    %dma_wait3A_50 = arith.constant 0 : i32
    %dma_wait3A_51 = tpu.memref_slice %arg4[%add3A_44, %dma_wait3A_50] : memref<3276800x16xf32, #tpu.memory_space<hbm>> -> memref<2048x16xf32, #tpu.memory_space<hbm>>
    %dma_wait3A_52 = arith.constant 0 : i32
    %dma_wait3A_53 = tpu.memref_slice %arg4[%add3A_44, %dma_wait3A_52] : memref<3276800x16xf32, #tpu.memory_space<hbm>> -> memref<2048x16xf32, #tpu.memory_space<hbm>>
    %dma_wait3A_54 = arith.constant 0 : i32
    %dma_wait3A_55 = arith.constant 0 : i32
    %dma_wait3A_56 = tpu.memref_slice %arg7[%dma_wait3A_45, %dma_wait3A_54, %dma_wait3A_55] : memref<2x2048x16xf32, #tpu.memory_space<vmem>> -> memref<1x2048x16xf32, #tpu.memory_space<vmem>>
    %dma_wait3A_57 = tpu.memref_squeeze %dma_wait3A_56 : memref<1x2048x16xf32, #tpu.memory_space<vmem>> -> memref<2048x16xf32, #tpu.memory_space<vmem>>
    tpu.wait_dma2 semaphore(%arg12 : memref<!tpu.dma_semaphore, #tpu.memory_space<semaphore_mem>>) src(%dma_wait3A_57 : memref<2048x16xf32, #tpu.memory_space<vmem>>) dst(%dma_wait3A_53 : memref<2048x16xf32, #tpu.memory_space<hbm>>)
    %add3A_58 = arith.constant 100352 : i32
    %add3A_59 = arith.addi %mul3A_2, %add3A_58 : i32
    %dma_wait3A_60 = arith.constant 1 : i32
    %dma_wait3A_61 = arith.constant 0 : i32
    %dma_wait3A_62 = arith.constant 0 : i32
    %dma_wait3A_63 = tpu.memref_slice %arg7[%dma_wait3A_60, %dma_wait3A_61, %dma_wait3A_62] : memref<2x2048x16xf32, #tpu.memory_space<vmem>> -> memref<1x2048x16xf32, #tpu.memory_space<vmem>>
    %dma_wait3A_64 = tpu.memref_squeeze %dma_wait3A_63 : memref<1x2048x16xf32, #tpu.memory_space<vmem>> -> memref<2048x16xf32, #tpu.memory_space<vmem>>
    %dma_wait3A_65 = arith.constant 0 : i32
    %dma_wait3A_66 = tpu.memref_slice %arg4[%add3A_59, %dma_wait3A_65] : memref<3276800x16xf32, #tpu.memory_space<hbm>> -> memref<2048x16xf32, #tpu.memory_space<hbm>>
    %dma_wait3A_67 = arith.constant 0 : i32
    %dma_wait3A_68 = tpu.memref_slice %arg4[%add3A_59, %dma_wait3A_67] : memref<3276800x16xf32, #tpu.memory_space<hbm>> -> memref<2048x16xf32, #tpu.memory_space<hbm>>
    %dma_wait3A_69 = arith.constant 0 : i32
    %dma_wait3A_70 = arith.constant 0 : i32
    %dma_wait3A_71 = tpu.memref_slice %arg7[%dma_wait3A_60, %dma_wait3A_69, %dma_wait3A_70] : memref<2x2048x16xf32, #tpu.memory_space<vmem>> -> memref<1x2048x16xf32, #tpu.memory_space<vmem>>
    %dma_wait3A_72 = tpu.memref_squeeze %dma_wait3A_71 : memref<1x2048x16xf32, #tpu.memory_space<vmem>> -> memref<2048x16xf32, #tpu.memory_space<vmem>>
    tpu.wait_dma2 semaphore(%arg13 : memref<!tpu.dma_semaphore, #tpu.memory_space<semaphore_mem>>) src(%dma_wait3A_72 : memref<2048x16xf32, #tpu.memory_space<vmem>>) dst(%dma_wait3A_68 : memref<2048x16xf32, #tpu.memory_space<hbm>>)
    return
  }
}

</mosaic_0001>

<sc_bundles>
// kernel: kernel.3.cloned.1.call-start
scs
__scs_entry_jumppad:
0x0: {  	(pc) =	sbr.rel $0x88, $3  }
0x1: {  	(tag) =	ssettag $0x0;
	lr =	simm.s32 $0x1  }
0x2: {  	[smem:$0x3F9F] =	sst lr;
	_ =	strace $0xD0000000  }
0x3: {  	_ = 	snop  }
0x4: {  	_ = 	snop  }
0x5: {  	_ = 	snop  }
0x6: {  	_ = 	snop  }
0x7: {  	_ = 	snop  }
__scs_overlays_trampoline_lowered:
0x8: {  	[smem:$0x3FAE] =	sst s0  }
0x9: {  	[smem:$0x3FAF] =	sst s1  }
0xa: {  	[smem:$0x3FB0] =	sst s2  }
0xb: {  	[smem:$0x3FB1] =	sst s3  }
0xc: {  	[smem:$0x3FB2] =	sst s4  }
0xd: {  	[smem:$0x3FB3] =	sst s5  }
0xe: {  	[smem:$0x3FB4] =	sst s6  }
0xf: {  	[smem:$0x3FB5] =	sst s7  }
0x10: {  	[smem:$0x3FB6] =	sst s8  }
0x11: {  	[smem:$0x3FB7] =	sst s9;
	s0 =	simm.s32 @!p0 $0x0  }
0x12: {  	s1 =	sld [smem:$0x3F9D];
	s0 =	simm.s32 @p0 $0x1  }
0x13: {  	[smem:$0x3FB8] =	sst s0;
	s0 =	simm.s32 @!p1 $0x0  }
0x14: {  	s2 =	sld [smem:$0x3F9C];
	s0 =	simm.s32 @p1 $0x1  }
0x15: {  	[smem:$0x3FB9] =	sst s0;
	s0 =	simm.s32 @!p2 $0x0  }
0x16: {  	s3 =	sld [smem:$0x3FDB];
	s0 =	simm.s32 @p2 $0x1  }
0x17: {  	s4 =	simm.s32 $0x1BF5;
	[smem:$0x3FBB] =	sst s0  }
0x18: {  	s0 =	sld [smem:$0x3F9E];
	_ =	swait.ge [sflag:s4], $0x0  }
0x19: {  	s7 =	sld [smem:$0x3F9F]  }
0x1a: {  	s8 =	sadd.s32 $0xFFFFE003, lr  }
0x1b: {  	s9 =	sadd.s32 $0xFFFFFEF7, lr;
	s5 =	simm.s32 $0xFFFFFFFF;
	p2 =	slt.u32 s8, $0xFFFFF086  }
0x1c: {  	p1 =	slt.u32 s9, $0xF7A;
	s5 =	simm.s32 @!p2 $0x0  }
0x1d: {  	s5 =	simm.s32 @p1 $0x1;
	p0 =	seq.s32 s7, s2  }
0x1e: {  	s7 =	smul.u32 @!p0 $0xF7A, s2;
	p2 =	seq.s32 @!p0 s5, $0x0  }
0x1f: {  	s9 =	smul.u32 $0xF7A, s1;
	s8 =	simm.s32 @!p0 $0x1BF5;
	p2 =	por !p2, p0  }
0x20: {  	[sflag:s8] =	ssyncset.s32 @!p0 $0xFFFFF086;
	s6 =	sadd.s32 @!p0 s3, s7;
	s7 =	simm.s32 @!p0 $0x108  }
0x21: {  	s3 =	sadd.s32 s3, s9;
	s6 =	sadd.s32 @!p0 $0x88, s6;
	s7 =	simm.s32 @p2 $0x1082  }
0x22: {  	[simem:s7], [sflag:s8] =	dma.local @!p0 [hbm:s6], $0xF7A  }
0x23: {  	s9 =	sor.u32 $0xD0000000, s2;
	s6 =	simm.s32 $0x108;
	_ =	swait.ge @!p0 [sflag:s8], $0x0  }
0x24: {  	s3 =	sadd.s32 $0x88, s3;
	s6 =	simm.s32 @!p1 $0x1082;
	[sflag:s4] =	ssyncset.s32 $0xFFFFF086  }
0x25: {  	[simem:s6], [sflag:s4] =	dma.local [hbm:s3], $0xF7A  }
0x26: {  	[smem:$0x3F9F] =	sst s1;
	(tag) =	ssettag s2;
	_ =	strace s9  }
0x27: {  	s1 =	sld [smem:$0x3FAF]  }
0x28: {  	s2 =	sld [smem:$0x3FB0]  }
0x29: {  	s4 =	sld [smem:$0x3FB2]  }
0x2a: {  	p0 =	seq.s32 s5, $0x0;
	s5 =	sld [smem:$0x3FB3]  }
0x2b: {  	s6 =	sld [smem:$0x3FB4]  }
0x2c: {  	s7 =	sld [smem:$0x3FB5]  }
0x2d: {  	s3 =	simm.s32 $0x108;
	s8 =	sld [smem:$0x3FB6]  }
0x2e: {  	s3 =	simm.s32 @!p0 $0x1082;
	s9 =	sld [smem:$0x3FB7]  }
0x2f: {  	lr =	sadd.s32 s0, s3;
	s0 =	sld [smem:$0x3FAE]  }
0x30: {  	s3 =	sld [smem:$0x3FB1]  }
0x31: {  	[smem:$0x3FBA] =	sst s10  }
0x32: {  	s10 =	sld [smem:$0x3FB8];
	_ =	sdelay $0x3  }
0x33: {  	p0 =	seq.s32 s10, $0x1;
	s10 =	sld [smem:$0x3FBA];
	_ =	sdelay $0x3  }
0x34: {  	[smem:$0x3FBA] =	sst s10  }
0x35: {  	s10 =	sld [smem:$0x3FB9];
	_ =	sdelay $0x3  }
0x36: {  	p1 =	seq.s32 s10, $0x1;
	s10 =	sld [smem:$0x3FBA];
	_ =	sdelay $0x3  }
0x37: {  	[smem:$0x3FBA] =	sst s10  }
0x38: {  	s10 =	sld [smem:$0x3FBB]  }
0x39: {  	_ = 	snop;
	(pc) =	sbr.ind lr, $3  }
0x3a: {  	_ = 	snop  }
0x3b: {  	_ = 	snop  }
0x3c: {  	p2 =	seq.s32 s10, $0x1;
	s10 =	sld [smem:$0x3FBA]  }
0x3d: {  	_ =	shalt  }
0x3e: {  	_ =	shalt  }
0x3f: {  	_ =	shalt  }
0x40: {  	_ =	shalt  }
0x41: {  	_ =	shalt  }
0x42: {  	_ =	shalt  }
0x43: {  	_ =	shalt  }
0x44: {  	_ =	shalt  }
0x45: {  	_ =	shalt  }
0x46: {  	_ =	shalt  }
0x47: {  	_ =	shalt  }
0x48: {  	_ =	shalt  }
0x49: {  	_ =	shalt  }
0x4a: {  	_ =	shalt  }
0x4b: {  	_ =	shalt  }
0x4c: {  	_ =	shalt  }
0x4d: {  	_ =	shalt  }
0x4e: {  	_ =	shalt  }
0x4f: {  	_ =	shalt  }
0x50: {  	_ =	shalt  }
0x51: {  	_ =	shalt  }
0x52: {  	_ =	shalt  }
0x53: {  	_ =	shalt  }
0x54: {  	_ =	shalt  }
0x55: {  	_ =	shalt  }
0x56: {  	_ =	shalt  }
0x57: {  	_ =	shalt  }
0x58: {  	_ =	shalt  }
0x59: {  	_ =	shalt  }
0x5a: {  	_ =	shalt  }
0x5b: {  	_ =	shalt  }
0x5c: {  	_ =	shalt  }
0x5d: {  	_ =	shalt  }
0x5e: {  	_ =	shalt  }
0x5f: {  	_ =	shalt  }
0x60: {  	_ =	shalt  }
0x61: {  	_ =	shalt  }
0x62: {  	_ =	shalt  }
0x63: {  	_ =	shalt  }
0x64: {  	_ =	shalt  }
0x65: {  	_ =	shalt  }
0x66: {  	_ =	shalt  }
0x67: {  	_ =	shalt  }
0x68: {  	_ =	shalt  }
0x69: {  	_ =	shalt  }
0x6a: {  	_ =	shalt  }
0x6b: {  	_ =	shalt  }
0x6c: {  	_ =	shalt  }
0x6d: {  	_ =	shalt  }
0x6e: {  	_ =	shalt  }
0x6f: {  	_ =	shalt  }
0x70: {  	_ =	shalt  }
0x71: {  	_ =	shalt  }
0x72: {  	_ =	shalt  }
0x73: {  	_ =	shalt  }
0x74: {  	_ =	shalt  }
0x75: {  	_ =	shalt  }
0x76: {  	_ =	shalt  }
0x77: {  	_ =	shalt  }
0x78: {  	_ =	shalt  }
0x79: {  	_ =	shalt  }
0x7a: {  	_ =	shalt  }
0x7b: {  	_ =	shalt  }
0x7c: {  	_ =	shalt  }
0x7d: {  	_ =	shalt  }
0x7e: {  	_ =	shalt  }
0x7f: {  	_ =	shalt  }
0x80: {  	_ =	shalt  }
0x81: {  	_ =	shalt  }
0x82: {  	_ =	shalt  }
0x83: {  	_ =	shalt  }
0x84: {  	_ =	shalt  }
0x85: {  	_ =	shalt  }
0x86: {  	_ =	shalt  }
0x87: {  	_ =	shalt  }
.Lfunc_end0:
.L_simem_size_0:
called_computation.1_lowered:
.L_overlay_start_0:
0x88: {  	s2 =	sld [smem:$0x3FD9]  }
0x89: {  	s3 =	sld [smem:$0x3FFE];
	_ =	sdelay $0x1  }
0x8a: {  	s1 =	srdreg.scid  }
0x8b: {  	s0 =	sand.u32 $0x1, s1  }
0x8c: {  	s17 =	sshll.u32 s0, $0xA;
	s2 =	sadd.s32 s3, s2  }
0x8d: {  	s2 =	sadd.s32 s2, s17  }
0x8e: {  	[smem:$0x3FC6] =	sst s2  }
0x8f: {  	_ = 	snop  }
0x90: {  	s2 =	sld [smem:$0x3FD0];
	(tm) =	ssettm $0x1  }
0x91: {  	s18 =	sld [smem:$0x3FFB];
	_ =	sdelay $0x3  }
0x92: {  	_ =	strace s18  }
0x93: {  	s3 =	sld [smem:$0x3FFC];
	_ =	sdelay $0x3  }
0x94: {  	_ =	strace s3  }
0x95: {  	s3 =	sld [smem:$0x3FFD];
	_ =	sdelay $0x3  }
0x96: {  	_ =	strace s3  }
0x97: {  	_ =	strace $0x8FFFFFFF  }
0x98: {  	s19 =	sld [smem:$0x3FDB];
	_ =	sdelay $0x1  }
0x99: {  	s4 =	simm.s32 $_scs_section_size  }
0x9a: {  	s5 =	simm.s32 $_size__tile_overlayer_lowered;
	s6 =	simm.s32 $_tile_overlayer_lowered  }
0x9b: {  	s22 =	simm.s32 $0x1BFF;
	s21 =	sshll.u32 s6, $0x1;
	s3 =	sadd.s32 s4, s19  }
0x9c: {  	s7 =	simm.s32 $0x0;
	s20 =	sshll.u32 s5, $0x1;
	s5 =	sadd.s32 s21, s3  }
0x9d: {  	[timem:s7], [sflag:s22] =	dma.local [hbm:s5], s20  }
0x9e: {  	_ =	swait.ge [sflag:s22], s20  }
0x9f: {  	s4 =	ssub.s32 $0x0, s20;
	[sflag:s22] =	ssyncset.done $0x0  }
0xa0: {  	[sflag:s22] =	ssyncadd.s32 s4;
	_ =	sdelay $0x1  }
0xa1: {  	s23 =	simm.s32 $0x1B8B  }
0xa2: {  	_ =	swait.ge [sflag:s23], $0x1  }
0xa3: {  	[sflag:s23] =	ssyncset.done $0x0  }
0xa4: {  	s25 =	simm.s32 $0x1B8E;
	s24 =	sld [smem:$0x3FFE];
	[sflag:s23] =	ssyncadd.s32 $0xFFFFFFFF  }
0xa5: {  	s26 =	simm.s32 $execute0_lowered;
	[smem:$0x3FD2] =	sst s25  }
0xa6: {  	s5 =	sshll.u32 s26, $0x1;
	_ =	strace $0x80000046;
	[dreg:$0x1] =	wrdreg $0xFFFFFFFF  }
0xa7: {  	s28 =	simm.s32 $_size_execute0_lowered;
	s3 =	sadd.s32 s3, s5;
	[dreg:$0x0] =	wrdreg $0x0  }
0xa8: {  	s5 =	sshll.u32 s28, $0x1;
	[dreg:$0x2] =	wrdreg s3  }
0xa9: {  	[dreg:$0x3] =	wrdreg s5  }
0xaa: {  	[dreg:$0x4] =	wrdreg $0xC0  }
0xab: {  	_ =	task [dreg:s7], $0x5FFFF  }
0xac: {  	[dreg:$0x1] =	wrdreg $0xFFFFFFFF  }
0xad: {  	[dreg:$0x0] =	wrdreg $0x60  }
0xae: {  	[dreg:$0x2] =	wrdreg s24  }
0xaf: {  	[dreg:$0x3] =	wrdreg s2  }
0xb0: {  	[dreg:$0x4] =	wrdreg $0x9  }
0xb1: {  	_ =	task.clear_ibuf [dreg:s7], $0x5FFFF;
	_ =	strace $0x90000046  }
0xb2: {  	s29 =	simm.s32 $0x9;
	_ =	strace $0x80000048  }
0xb3: {  	_ =	swait.ge [sflag:s29], $0x1  }
0xb4: {  	[sflag:s29] =	ssyncadd.s32 $0xFFFFFFFF  }
0xb5: {  	_ =	strace $0x90000048  }
0xb6: {  	_ =	sfence  }
0xb7: {  	s30 =	sld [smem:$0x0];
	_ =	sdelay $0x2  }
0xb8: {  	s31 =	sshll.u32 s1, $0xD;
	s1 =	sshrl.u32 s1, $0x2  }
0xb9: {  	s3 =	sand.u32 $0x4000, s31;
	s1 =	sadd.s32 s1, s30  }
0xba: {  	s0 =	sor.u32 s3, s0;
	s1 =	sshll.u32 s1, $0x11  }
0xbb: {  	s0 =	sor.u32 s1, s0  }
0xbc: {  	s0 =	sadd.s32 $0x8F2B, s0  }
0xbd: {  	[sflag:s0] =	ssyncadd.remote.s32 $0x1  }
0xbe: {  	_ =	sfence.sel $0xFFFF  }
0xbf: {  	[dreg:$0x0] =	wrdreg $0xFFFFFFFF;
	(pc) =	sbr.abs _section_cstart, $3  }
0xc0: {  	[dreg:$0x1] =	wrdreg $0xFFFFFFFF  }
0xc1: {  	_ =	task.clear_ibuf [dreg:s7], $0x2FFFF;
	_ =	strace $0x9FFFFFFF  }
0xc2: {  	(tm) =	ssettm $0x7FFFFFFF  }
0xc3: {  	_ =	shalt  }
tec
execute0_lowered:
.L_overlay_start_1:
0x0: {  	(tag) =	ssettag $0x1  }
0x1: {  	s6 =	rddreg [dreg:$0x0]  }
0x2: {  	s2 =	rddreg [dreg:$0x1]  }
0x3: {  	s0 =	rddreg [dreg:$0x2]  }
0x4: {  	s4 =	srdreg.scid;
	s1 =	stileid.u32;
	s3 =	simm.s32 $0x0  }
0x5: {  	s13 =	simm.s32 $0x800;
	s14 =	simm.s32 $0x1;
	s15 =	simm.s32 $0x1000  }
0x6: {  	s16 =	simm.s32 $0x2000;
	s17 =	simm.s32 $0x2;
	s18 =	simm.s32 $0x1800  }
0x7: {  	s19 =	simm.s32 $0xA000;
	s20 =	simm.s32 $0x3;
	s21 =	simm.s32 $0x4  }
0x8: {  	s22 =	simm.s32 $0x5;
	s5 =	sand.u32 $0x1, s4;
	s30 =	sshll.u32 s1, $0x1  }
0x9: {  	s23 =	simm.s32 $0x6;
	s24 =	simm.s32 $0x0;
	s7 =	sor.u32 s5, s30  }
0xa: {  	[smem:$0x7FF] =	sst s3;
	s8 =	ssub.s32 $0x2, s5;
	s10 =	smul.u32 $0x19000, s7  }
0xb: {  	s4 =	sadd.s32 $0x1000, s6;
	s5 =	smul.u32 $0x190000, s7;
	s31 =	sshrl.u32 s8, $0x1  }
0xc: {  	s6 =	sadd.s32 $0x65000, s6;
	_ =	strace $0x80000047;
	s12 =	ssub.s32 s8, s31  }
0xd: {  	s9 =	sshrl.u32 s10, $0x3;
	s11 =	sshrl.u32 s5, $0x3;
	s8 =	sor.u32 $0x800, s10  }
0xe: {  	s12 =	smax.u32 s12, $0x1;
	s7 =	sadd.s32 s4, s9;
	s11 =	sadd.s32 s2, s11  }
0xf: {  	s9 =	sadd.s32 $0xFFFF800, s10;
	s10 =	sadd.s32 $0x1000, s10;
	s11 =	sadd.s32 $0x31000, s11  }
.LBB2_1:
0x10: {  	[tilespmem:s3], [sflag:$0x1] =	stream.linear.gather [hbm4b:s7+s3], $0x800, $0x38;
	[tilespmem:$0x12000] =	vst v63  }
0x11: {  	s25 =	simm.s32 $0x0  }
.LBB2_2:
0x12: {  	p0 =	seq.s32 s25, $0x0  }
0x13: {  	s26 =	sshll.u32 s25, $0xC;
	s28 =	simm.s32 @!p0 $0x5  }
0x14: {  	s29 =	sadd.s32 s26, s8;
	_ =	swait.ge @!p0 [sflag:s28], $0x8000  }
0x15: {  	s29 =	sshrl.u32 s29, $0x3;
	[sflag:s28] =	ssyncset.done @!p0 $0x0  }
0x16: {  	[sflag:s28] =	ssyncadd.s32 @!p0 $0xFFFF8000;
	s28 =	sadd.s32 s4, s29  }
0x17: {  	[tilespmem:s13], [sflag:$0x2] =	stream.linear.gather [hbm4b:s28+s3], $0x800, $0x38;
	[tilespmem:$0x12000] =	vst v63  }
0x18: {  	_ =	swait.ge [sflag:s14], $0x800  }
0x19: {  	[sflag:s14] =	ssyncset.done $0x0  }
0x1a: {  	s29 =	simm.s32 $0x20;
	[sflag:s14] =	ssyncadd.s32 $0xFFFFF800  }
0x1b: {  	v0 =	vld [tilespmem:s29+$0xFFFFFFE0];
	_ =	sdelay $0x4  }
0x1c: {  	v0 =	vmul.f32 $1.000000000e+05, v0;
	_ =	sdelay $0x1  }
0x1d: {  	v0 =	vmax.f32 v0, $0.0e+00  }
0x1e: {  	v0 =	vmin.f32 v0, $1.000000000e+05  }
0x1f: {  	v0 =	vtrunc.f32 v0  }
0x20: {  	v0 =	vcvt.f32.s32 v0  }
0x21: {  	s28 =	simm.s32 $0x1020  }
0x22: {  	[tilespmem:s28+$0xFFFFFFE0] =	vst v0  }
0x23: {  	v0 =	vld [tilespmem:s29+$0xFFFFFFF0];
	_ =	sdelay $0x4  }
0x24: {  	v0 =	vmul.f32 $1.000000000e+05, v0;
	_ =	sdelay $0x1  }
0x25: {  	v0 =	vmax.f32 v0, $0.0e+00  }
0x26: {  	v0 =	vmin.f32 v0, $1.000000000e+05  }
0x27: {  	v0 =	vtrunc.f32 v0  }
0x28: {  	v0 =	vcvt.f32.s32 v0;
	_ =	sdelay $0x1  }
0x29: {  	[tilespmem:s28+$0xFFFFFFF0] =	vst v0  }
0x2a: {  	v0 =	vld [tilespmem:s29+$0x0];
	_ =	sdelay $0x4  }
0x2b: {  	v0 =	vmul.f32 $1.000000000e+05, v0;
	_ =	sdelay $0x1  }
0x2c: {  	v0 =	vmax.f32 v0, $0.0e+00  }
0x2d: {  	v0 =	vmin.f32 v0, $1.000000000e+05  }
0x2e: {  	v0 =	vtrunc.f32 v0  }
0x2f: {  	v0 =	vcvt.f32.s32 v0;
	_ =	sdelay $0x1  }
0x30: {  	[tilespmem:s28+$0x0] =	vst v0  }
0x31: {  	v0 =	vld [tilespmem:s29+$0x10];
	_ =	sdelay $0x4  }
0x32: {  	v0 =	vmul.f32 $1.000000000e+05, v0;
	_ =	sdelay $0x1  }
0x33: {  	v0 =	vmax.f32 v0, $0.0e+00  }
0x34: {  	v0 =	vmin.f32 v0, $1.000000000e+05  }
0x35: {  	v0 =	vtrunc.f32 v0  }
0x36: {  	v0 =	vcvt.f32.s32 v0;
	_ =	sdelay $0x1  }
0x37: {  	s30 =	simm.s32 $0x60;
	s29 =	simm.s32 $0x0;
	[tilespmem:s28+$0x10] =	vst v0  }
.LBB2_3:
0x38: {  	v0 =	vld [tilespmem:s30+$0xFFFFFFE0];
	s29 =	sadd.s32 $0x4, s29  }
0x39: {  	p1 =	slt.u32 s29, $0x7C;
	_ =	sdelay $0x3  }
0x3a: {  	v0 =	vmul.f32 $1.000000000e+05, v0;
	_ =	sdelay $0x1  }
0x3b: {  	v0 =	vmax.f32 v0, $0.0e+00  }
0x3c: {  	v0 =	vmin.f32 v0, $1.000000000e+05  }
0x3d: {  	v0 =	vtrunc.f32 v0  }
0x3e: {  	v0 =	vcvt.f32.s32 v0  }
0x3f: {  	s28 =	sadd.s32 $0x40, s28  }
0x40: {  	[tilespmem:s28+$0xFFFFFFE0] =	vst v0  }
0x41: {  	v0 =	vld [tilespmem:s30+$0xFFFFFFF0];
	_ =	sdelay $0x4  }
0x42: {  	v0 =	vmul.f32 $1.000000000e+05, v0;
	_ =	sdelay $0x1  }
0x43: {  	v0 =	vmax.f32 v0, $0.0e+00  }
0x44: {  	v0 =	vmin.f32 v0, $1.000000000e+05  }
0x45: {  	v0 =	vtrunc.f32 v0  }
0x46: {  	v0 =	vcvt.f32.s32 v0;
	_ =	sdelay $0x1  }
0x47: {  	[tilespmem:s28+$0xFFFFFFF0] =	vst v0  }
0x48: {  	v0 =	vld [tilespmem:s30+$0x0];
	_ =	sdelay $0x4  }
0x49: {  	v0 =	vmul.f32 $1.000000000e+05, v0;
	_ =	sdelay $0x1  }
0x4a: {  	v0 =	vmax.f32 v0, $0.0e+00  }
0x4b: {  	v0 =	vmin.f32 v0, $1.000000000e+05  }
0x4c: {  	v0 =	vtrunc.f32 v0  }
0x4d: {  	v0 =	vcvt.f32.s32 v0;
	_ =	sdelay $0x1  }
0x4e: {  	[tilespmem:s28+$0x0] =	vst v0  }
0x4f: {  	v0 =	vld [tilespmem:s30+$0x10];
	_ =	sdelay $0x4  }
0x50: {  	v0 =	vmul.f32 $1.000000000e+05, v0;
	_ =	sdelay $0x1  }
0x51: {  	v0 =	vmax.f32 v0, $0.0e+00  }
.Ltmp0:
0x52: {  	v0 =	vmin.f32 v0, $1.000000000e+05;
	(pc) =	sbr.rel @p1 .LBB2_3-.Ltmp0, $3  }
0x53: {  	v0 =	vtrunc.f32 v0  }
0x54: {  	v0 =	vcvt.f32.s32 v0;
	_ =	sdelay $0x1  }
0x55: {  	s30 =	sadd.s32 $0x40, s30;
	[tilespmem:s28+$0x10] =	vst v0  }
0x56: {  	[tilespmem:s16], [sflag:$0x3] =	stream.indirect.gather [hbm4b:s6+s13], $0x10, s15, s13, $0xb8;
	[tilespmem:$0x12000] =	vst v63  }
0x57: {  	s28 =	simm.s32 @!p0 $0x4  }
0x58: {  	s29 =	sadd.s32 @!p0 s26, s9;
	_ =	swait.ge @!p0 [sflag:s28], $0x8000  }
0x59: {  	s29 =	sshll.u32 @!p0 s29, $0x1;
	[sflag:s28] =	ssyncset.done @!p0 $0x0  }
0x5a: {  	s30 =	simm.s32 @!p0 $0xA000;
	[sflag:s28] =	ssyncadd.s32 @!p0 $0xFFFF8000;
	s28 =	sand.u32 @!p0 $0x1FFFF000, s29  }
0x5b: {  	p1 =	seq.s32 @!p0 s25, $0x18;
	s29 =	simm.s32 @!p0 $0x0;
	s28 =	sadd.s32 @!p0 s2, s28  }
0x5c: {  	[hbm4b:s28+s29] =	stream.linear.scatter @!p0 [tilespmem:s30], [sflag:$0x6], $0x8000, $0x38;
	[tilespmem:$0x12000] =	vst v63  }
0x5d: {  	p1 =	por p0, !p1;
	s28 =	simm.s32 @!p0 $0x6  }
0x5e: {  	s26 =	sadd.s32 @p1 s26, s10;
	_ =	swait.ge @!p0 [sflag:s28], $0x8000  }
0x5f: {  	s26 =	sshrl.u32 @p1 s26, $0x3;
	[sflag:s28] =	ssyncset.done @!p0 $0x0  }
0x60: {  	s26 =	sadd.s32 @p1 s4, s26;
	[sflag:s28] =	ssyncadd.s32 @!p0 $0xFFFF8000  }
0x61: {  	[tilespmem:s3], [sflag:$0x1] =	stream.linear.gather @p1 [hbm4b:s26+s3], $0x800, $0x38;
	[tilespmem:$0x12000] =	vst v63  }
0x62: {  	_ =	swait.ge [sflag:s17], $0x800  }
0x63: {  	[sflag:s17] =	ssyncset.done $0x0  }
0x64: {  	s28 =	simm.s32 $0x830;
	[sflag:s17] =	ssyncadd.s32 $0xFFFFF800  }
0x65: {  	v0 =	vld [tilespmem:s28+$0xFFFFFFD0];
	_ =	sdelay $0x4  }
0x66: {  	v0 =	vmul.f32 $1.000000000e+05, v0;
	_ =	sdelay $0x1  }
0x67: {  	v0 =	vmax.f32 v0, $0.0e+00  }
0x68: {  	v0 =	vmin.f32 v0, $1.000000000e+05  }
0x69: {  	v0 =	vtrunc.f32 v0  }
0x6a: {  	v0 =	vcvt.f32.s32 v0  }
0x6b: {  	s26 =	simm.s32 $0x1830  }
0x6c: {  	[tilespmem:s26+$0xFFFFFFD0] =	vst v0  }
0x6d: {  	v0 =	vld [tilespmem:s28+$0xFFFFFFE0];
	_ =	sdelay $0x4  }
0x6e: {  	v0 =	vmul.f32 $1.000000000e+05, v0;
	_ =	sdelay $0x1  }
0x6f: {  	v0 =	vmax.f32 v0, $0.0e+00  }
0x70: {  	v0 =	vmin.f32 v0, $1.000000000e+05  }
0x71: {  	v0 =	vtrunc.f32 v0  }
0x72: {  	v0 =	vcvt.f32.s32 v0;
	_ =	sdelay $0x1  }
0x73: {  	[tilespmem:s26+$0xFFFFFFE0] =	vst v0  }
0x74: {  	v0 =	vld [tilespmem:s28+$0xFFFFFFF0];
	_ =	sdelay $0x4  }
0x75: {  	v0 =	vmul.f32 $1.000000000e+05, v0;
	_ =	sdelay $0x1  }
0x76: {  	v0 =	vmax.f32 v0, $0.0e+00  }
0x77: {  	v0 =	vmin.f32 v0, $1.000000000e+05  }
0x78: {  	v0 =	vtrunc.f32 v0  }
0x79: {  	v0 =	vcvt.f32.s32 v0;
	_ =	sdelay $0x1  }
0x7a: {  	[tilespmem:s26+$0xFFFFFFF0] =	vst v0  }
0x7b: {  	v0 =	vld [tilespmem:s28+$0x0];
	_ =	sdelay $0x4  }
0x7c: {  	v0 =	vmul.f32 $1.000000000e+05, v0;
	_ =	sdelay $0x1  }
0x7d: {  	v0 =	vmax.f32 v0, $0.0e+00  }
0x7e: {  	v0 =	vmin.f32 v0, $1.000000000e+05  }
0x7f: {  	v0 =	vtrunc.f32 v0  }
0x80: {  	v0 =	vcvt.f32.s32 v0;
	_ =	sdelay $0x1  }
0x81: {  	s29 =	simm.s32 $0x870;
	s28 =	simm.s32 $0x0;
	[tilespmem:s26+$0x0] =	vst v0  }
.LBB2_5:
0x82: {  	v0 =	vld [tilespmem:s29+$0xFFFFFFD0];
	s28 =	sadd.s32 $0x4, s28  }
0x83: {  	p0 =	slt.u32 s28, $0x7C;
	_ =	sdelay $0x3  }
0x84: {  	v0 =	vmul.f32 $1.000000000e+05, v0;
	_ =	sdelay $0x1  }
0x85: {  	v0 =	vmax.f32 v0, $0.0e+00  }
0x86: {  	v0 =	vmin.f32 v0, $1.000000000e+05  }
0x87: {  	v0 =	vtrunc.f32 v0  }
0x88: {  	v0 =	vcvt.f32.s32 v0  }
0x89: {  	s26 =	sadd.s32 $0x40, s26  }
0x8a: {  	[tilespmem:s26+$0xFFFFFFD0] =	vst v0  }
0x8b: {  	v0 =	vld [tilespmem:s29+$0xFFFFFFE0];
	_ =	sdelay $0x4  }
0x8c: {  	v0 =	vmul.f32 $1.000000000e+05, v0;
	_ =	sdelay $0x1  }
0x8d: {  	v0 =	vmax.f32 v0, $0.0e+00  }
0x8e: {  	v0 =	vmin.f32 v0, $1.000000000e+05  }
0x8f: {  	v0 =	vtrunc.f32 v0  }
0x90: {  	v0 =	vcvt.f32.s32 v0;
	_ =	sdelay $0x1  }
0x91: {  	[tilespmem:s26+$0xFFFFFFE0] =	vst v0  }
0x92: {  	v0 =	vld [tilespmem:s29+$0xFFFFFFF0];
	_ =	sdelay $0x4  }
0x93: {  	v0 =	vmul.f32 $1.000000000e+05, v0;
	_ =	sdelay $0x1  }
0x94: {  	v0 =	vmax.f32 v0, $0.0e+00  }
0x95: {  	v0 =	vmin.f32 v0, $1.000000000e+05  }
0x96: {  	v0 =	vtrunc.f32 v0  }
0x97: {  	v0 =	vcvt.f32.s32 v0;
	_ =	sdelay $0x1  }
0x98: {  	[tilespmem:s26+$0xFFFFFFF0] =	vst v0  }
0x99: {  	v0 =	vld [tilespmem:s29+$0x0];
	_ =	sdelay $0x4  }
0x9a: {  	v0 =	vmul.f32 $1.000000000e+05, v0;
	_ =	sdelay $0x1  }
0x9b: {  	v0 =	vmax.f32 v0, $0.0e+00  }
.Ltmp1:
0x9c: {  	v0 =	vmin.f32 v0, $1.000000000e+05;
	(pc) =	sbr.rel @p0 .LBB2_5-.Ltmp1, $3  }
0x9d: {  	v0 =	vtrunc.f32 v0  }
0x9e: {  	v0 =	vcvt.f32.s32 v0;
	_ =	sdelay $0x1  }
0x9f: {  	s29 =	sadd.s32 $0x40, s29;
	[tilespmem:s26+$0x0] =	vst v0  }
0xa0: {  	[tilespmem:s19], [sflag:$0x4] =	stream.indirect.gather [hbm4b:s6+s13], $0x10, s18, s13, $0xb8;
	[tilespmem:$0x12000] =	vst v63  }
0xa1: {  	s26 =	sshll.u32 s25, $0x10;
	s25 =	sadd.s32 $0x1, s25  }
0xa2: {  	p0 =	sne.s32 s25, $0x19  }
.Ltmp2:
0xa3: {  	_ = 	snop;
	(pc) =	sbr.rel @p0 .LBB2_2-.Ltmp2, $4  }
0xa4: {  	_ =	swait.ge [sflag:s20], $0x8000;
	s26 =	sadd.s32 s5, s26  }
0xa5: {  	[sflag:s20] =	ssyncset.done $0x0;
	s26 =	sshrl.u32 s26, $0x3  }
0xa6: {  	[sflag:s20] =	ssyncadd.s32 $0xFFFF8000;
	s26 =	sadd.s32 s2, s26  }
0xa7: {  	[hbm4b:s26+s3] =	stream.linear.scatter [tilespmem:s16], [sflag:$0x5], $0x8000, $0x38;
	[tilespmem:$0x12000] =	vst v63  }
0xa8: {  	_ =	swait.ge [sflag:s21], $0x8000  }
0xa9: {  	[sflag:s21] =	ssyncset.done $0x0  }
0xaa: {  	s24 =	sadd.s32 $0x1, s24;
	[sflag:s21] =	ssyncadd.s32 $0xFFFF8000  }
0xab: {  	[hbm4b:s11+s3] =	stream.linear.scatter [tilespmem:s19], [sflag:$0x6], $0x8000, $0x38;
	[tilespmem:$0x12000] =	vst v63  }
0xac: {  	p0 =	sne.s32 s24, s12;
	_ =	swait.ge [sflag:s22], $0x8000  }
.Ltmp3:
0xad: {  	[sflag:s22] =	ssyncset.done $0x0;
	(pc) =	sbr.rel @p0 .LBB2_1-.Ltmp3, $4  }
0xae: {  	[sflag:s22] =	ssyncadd.s32 $0xFFFF8000  }
0xaf: {  	_ =	swait.ge [sflag:s23], $0x8000  }
0xb0: {  	[sflag:s23] =	ssyncset.done $0x0  }
0xb1: {  	[sflag:s23] =	ssyncadd.s32 $0xFFFF8000  }
0xb2: {  	_ =	sfence.sel $0x180000  }
0xb3: {  	[bflag:$0x0] =	sbarrier.arrive $0xFFFF  }
0xb4: {  	p0 =	sne.s32 s1, $0x0;
	_ =	strace $0x90000047  }
0xb5: {  	s0 =	sadd.s32 @!p0 $0x100000, s0;
	[bflag:$0x2] =	sbarrier.arrive $0xFFFF  }
0xb6: {  	[sflag:s0] =	ssyncadd.tile.s32 @!p0 $0x1;
	_ =	shalt  }
.Lfunc_end2:
_tile_overlayer_lowered:
.L_overlay_start_2:
0xb7: {  	(tag) =	ssettag $0x2  }
0xb8: {  	s0 =	rddreg [dreg:$0x0];
	s2 =	stileid.u32  }
0xb9: {  	s1 =	rddreg [dreg:$0x1];
	p0 =	sne.s32 s2, $0x0  }
0xba: {  	s3 =	rddreg [dreg:$0x2];
	[bflag:$0x3] =	sbarrier.arrive $0xFFFF;
	s2 =	simm.s32 @!p0 $0x1C07  }
0xbb: {  	[timem:s3], [sflag:s2] =	dma.local @!p0 [hbm:s0], s1  }
0xbc: {  	s0 =	simm.s32 @!p0 $0x7  }
0xbd: {  	_ =	swait.ge @!p0 [sflag:s0], s1  }
0xbe: {  	s1 =	ssub.s32 @!p0 $0x0, s1;
	[sflag:s0] =	ssyncset.done @!p0 $0x0  }
0xbf: {  	[sflag:s0] =	ssyncadd.s32 @!p0 s1  }
0xc0: {  	[bflag:$0x3] =	sbarrier.arrive $0xFFFF  }
0xc1: {  	_ =	shalt  }

// kernel: sparse-core-data-format-call.cloned.1.call-start
scs
called_computation_lowered:
.L_overlay_start_0:
0x0: {  	s2 =	sld [smem:$0x3FD9]  }
0x1: {  	s3 =	sld [smem:$0x3FFE];
	_ =	sdelay $0x1  }
0x2: {  	s1 =	srdreg.scid  }
0x3: {  	s0 =	sand.u32 $0x1, s1  }
0x4: {  	s18 =	sshll.u32 s0, $0xA;
	s2 =	sadd.s32 s3, s2  }
0x5: {  	s2 =	sadd.s32 s2, s18  }
0x6: {  	[smem:$0x3FC6] =	sst s2  }
0x7: {  	_ = 	snop  }
0x8: {  	s2 =	sld [smem:$0x3FD0];
	(tm) =	ssettm $0x1  }
0x9: {  	s19 =	sld [smem:$0x3FFB];
	_ =	sdelay $0x3  }
0xa: {  	_ =	strace s19  }
0xb: {  	s3 =	sld [smem:$0x3FFC];
	_ =	sdelay $0x3  }
0xc: {  	_ =	strace s3  }
0xd: {  	s3 =	sld [smem:$0x3FFD];
	_ =	sdelay $0x3  }
0xe: {  	_ =	strace s3  }
0xf: {  	_ =	strace $0x8FFFFFFF  }
0x10: {  	s20 =	sld [smem:$0x3FDB];
	_ =	sdelay $0x1  }
0x11: {  	s4 =	simm.s32 $_scs_section_size  }
0x12: {  	s5 =	simm.s32 $_size__tile_overlayer_lowered;
	s6 =	simm.s32 $_tile_overlayer_lowered  }
0x13: {  	s23 =	simm.s32 $0x1BFF;
	s22 =	sshll.u32 s6, $0x1;
	s3 =	sadd.s32 s4, s20  }
0x14: {  	s7 =	simm.s32 $0x0;
	s21 =	sshll.u32 s5, $0x1;
	s5 =	sadd.s32 s22, s3  }
0x15: {  	[timem:s7], [sflag:s23] =	dma.local [hbm:s5], s21  }
0x16: {  	_ =	swait.ge [sflag:s23], s21  }
0x17: {  	s4 =	ssub.s32 $0x0, s21;
	[sflag:s23] =	ssyncset.done $0x0  }
0x18: {  	[sflag:s23] =	ssyncadd.s32 s4;
	_ =	sdelay $0x1  }
0x19: {  	s24 =	simm.s32 $0x1B8B  }
0x1a: {  	_ =	swait.ge [sflag:s24], $0x1  }
0x1b: {  	[sflag:s24] =	ssyncset.done $0x0  }
0x1c: {  	s26 =	simm.s32 $0x1B8E;
	s25 =	sld [smem:$0x3FFE];
	[sflag:s24] =	ssyncadd.s32 $0xFFFFFFFF  }
0x1d: {  	s27 =	simm.s32 $execute0_lowered;
	[smem:$0x3FD2] =	sst s26  }
0x1e: {  	s5 =	sshll.u32 s27, $0x1;
	_ =	strace $0x80000049;
	[dreg:$0x1] =	wrdreg $0xFFFFFFFF  }
0x1f: {  	s28 =	simm.s32 $_size_execute0_lowered;
	s3 =	sadd.s32 s3, s5;
	[dreg:$0x0] =	wrdreg $0x0  }
0x20: {  	s5 =	sshll.u32 s28, $0x1;
	[dreg:$0x2] =	wrdreg s3  }
0x21: {  	[dreg:$0x3] =	wrdreg s5  }
0x22: {  	[dreg:$0x4] =	wrdreg $0xC0  }
0x23: {  	_ =	task [dreg:s7], $0x5FFFF  }
0x24: {  	[dreg:$0x1] =	wrdreg $0xFFFFFFFF  }
0x25: {  	[dreg:$0x0] =	wrdreg $0x60  }
0x26: {  	[dreg:$0x2] =	wrdreg s25  }
0x27: {  	[dreg:$0x3] =	wrdreg s2  }
0x28: {  	[dreg:$0x4] =	wrdreg $0x9  }
0x29: {  	_ =	task.clear_ibuf [dreg:s7], $0x5FFFF;
	_ =	strace $0x90000049  }
0x2a: {  	s29 =	simm.s32 $0x9;
	_ =	strace $0x8000004B  }
0x2b: {  	_ =	swait.ge [sflag:s29], $0x1  }
0x2c: {  	[sflag:s29] =	ssyncadd.s32 $0xFFFFFFFF  }
0x2d: {  	_ =	strace $0x9000004B  }
0x2e: {  	_ =	sfence  }
0x2f: {  	s30 =	sld [smem:$0x0];
	_ =	sdelay $0x2  }
0x30: {  	s31 =	sshll.u32 s1, $0xD;
	s1 =	sshrl.u32 s1, $0x2  }
0x31: {  	s3 =	sand.u32 $0x4000, s31;
	s1 =	sadd.s32 s1, s30  }
0x32: {  	s0 =	sor.u32 s3, s0;
	s1 =	sshll.u32 s1, $0x11  }
0x33: {  	s0 =	sor.u32 s1, s0  }
0x34: {  	s0 =	sadd.s32 $0x8F2B, s0  }
0x35: {  	[sflag:s0] =	ssyncadd.remote.s32 $0x1  }
0x36: {  	_ =	sfence.sel $0xFFFF  }
0x37: {  	[dreg:$0x0] =	wrdreg $0xFFFFFFFF;
	(pc) =	sbr.abs _section_cstart, $3  }
0x38: {  	[dreg:$0x1] =	wrdreg $0xFFFFFFFF  }
0x39: {  	_ =	task.clear_ibuf [dreg:s7], $0x2FFFF;
	_ =	strace $0x9FFFFFFF  }
0x3a: {  	(tm) =	ssettm $0x7FFFFFFF  }
0x3b: {  	_ =	shalt  }
tec
execute0_lowered:
.L_overlay_start_1:
0x0: {  	(tag) =	ssettag $0x1  }
0x1: {  	s0 =	srdreg.scid  }
0x2: {  	s1 =	sshll.u32 s0, $0x4  }
0x3: {  	s0 =	stileid.u32;
	s1 =	sand.u32 $0x10, s1  }
0x4: {  	s1 =	sor.u32 s0, s1  }
0x5: {  	s6 =	rddreg [dreg:$0x0];
	s4 =	simm.s32 $0x1;
	s2 =	sshll.u32 s1, $0x7  }
0x6: {  	s7 =	simm.s32 $0x2;
	s12 =	simm.s32 $0x0;
	s1 =	ssub.s32 $0x4000, s2  }
0x7: {  	s8 =	simm.s32 $0x20000;
	s13 =	simm.s32 $0x0;
	s3 =	sand.u32 $0xF80, s1  }
0x8: {  	s9 =	simm.s32 $0x0;
	s5 =	sshrl.u32 s1, $0xC;
	p0 =	sne.s32 s3, $0x0  }
.Ltmp0:
0x9: {  	s1 =	rddreg [dreg:$0x2];
	s4 =	simm.s32 @!p0 $0x0;
	(pc) =	sbr.rel .LBB1_1-.Ltmp0, $4  }
0xa: {  	s11 =	simm.s32 $0x0;
	s3 =	rddreg [dreg:$0x1];
	s5 =	sadd.s32 s4, s5  }
0xb: {  	_ =	strace $0x8000004A;
	s4 =	simm.s32 $0x1;
	s5 =	smul.u32 $0xC8, s5  }
0xc: {  	s6 =	sadd.s32 $0x1000, s6;
	s10 =	smov.u32 s2;
	[sflag:s4] =	ssyncpa.u1 $0x0  }
0xd: {  	p0 =	por $0x0, $0x0;
	[sflag:s7] =	ssyncpa.u1 $0x0;
	s7 =	sor.u32 $0x1, s5  }
.LBB1_4:
0xe: {  	s16 =	sshll.u32 s13, $0x3;
	s17 =	sand.u32 $0x78, s13  }
0xf: {  	s30 =	sand.u32 $0x7800, s13;
	s12 =	sshll.u32 s12, $0xF;
	s16 =	sand.u32 $0x3C00, s16  }
0x10: {  	s31 =	sand.u32 $0x7, s13;
	s16 =	sor.u32 s17, s16;
	s17 =	sadd.s32 s3, s30  }
0x11: {  	s13 =	sshll.u32 s31, $0x12;
	s16 =	sshrl.u32 s16, $0x3;
	s12 =	sadd.s32 s12, s17  }
0x12: {  	[tilespmem:s15+$0x0 ss:$0x81] =	vst.msk $0xffff, v1;
	s13 =	sor.u32 $0x400, s13;
	s12 =	sadd.s32 s16, s12  }
0x13: {  	[hbm4b:s12+s13] =	stream.strided.scatter [tilespmem:s14], [sflag:$0x2], $0x800, s8, s13, $0x20;
	[tilespmem:$0x2020] =	vst v63  }
.LBB1_5:
0x14: {  	s14 =	sadd.s32 $0x1, s9  }
0x15: {  	s12 =	sadd.s32 $0x1000, s10;
	s16 =	smov.u32 s10;
	p2 =	sgt.s32 s14, $0xC7  }
0x16: {  	s16 =	smov.u32 @p2 s12  }
0x17: {  	s14 =	simm.s32 @p2 $0x0;
	p2 =	sgt.s32 s16, $0x3FFF  }
0x18: {  	s16 =	smov.u32 @p2 s2;
	p2 =	sne.s32 s11, s7  }
.Ltmp1:
0x19: {  	p1 =	slt.u32 s11, $0x2;
	(pc) =	sbr.rel @!p2 .LBB1_6-.Ltmp1, $4  }
0x1a: {  	s15 =	simm.s32 @!p1 $0x2  }
0x1b: {  	s13 =	smov.u32 s10;
	p0 =	por !p0, !p0;
	_ =	swait.ge @!p1 [sflag:s15], $0x800  }
0x1c: {  	s12 =	smov.u32 s9;
	[sflag:s15] =	ssyncset.done @!p1 $0x0;
	s9 =	smov.u32 s14  }
0x1d: {  	s11 =	sadd.s32 $0x1, s11;
	[sflag:s15] =	ssyncadd.s32 @!p1 $0xFFFFF800;
	s10 =	smov.u32 s16  }
.LBB1_1:
0x1e: {  	p1 =	sge.u32 s11, s5  }
0x1f: {  	s14 =	sand.u32 @!p1 $0x1FFFFFF, s9  }
0x20: {  	s15 =	smulhi.u32 @!p1 $0x147AE15, s14;
	_ =	sdelay $0x1  }
0x21: {  	s15 =	smul.u32 @!p1 $0xC8, s15  }
0x22: {  	s16 =	sxor.u32 @!p1 $0xFFFFFFFF, s11;
	s17 =	smul.u32 @!p1 $0xC80, s10  }
0x23: {  	s31 =	sadd.s32 $0xFFFFFFFF, s11;
	s16 =	sshll.u32 @!p1 s16, $0xB;
	s14 =	ssub.s32 @!p1 s14, s15  }
0x24: {  	s15 =	sand.u32 @!p1 $0x800, s16;
	s16 =	sadd.s32 @!p1 s6, s17;
	s14 =	sshll.u32 @!p1 s14, $0x4  }
0x25: {  	s17 =	simm.s32 @!p1 $0x6400;
	s14 =	sadd.s32 @!p1 s14, s16;
	s16 =	simm.s32 @!p1 $0x10  }
0x26: {  	[tilespmem:s15], [sflag:$0x1] =	stream.strided.gather @!p1 [hbm4b:s14+s16], $0x800, s17, s16, $0x38;
	[tilespmem:$0x2020] =	vst v63  }
0x27: {  	p1 =	sge.u32 s31, s5  }
.Ltmp2:
0x28: {  	_ = 	snop;
	(pc) =	sbr.rel @p1 .LBB1_5-.Ltmp2, $1  }
0x29: {  	_ =	sdelay $0x3  }
0x2a: {  	s14 =	simm.s32 $0x1  }
0x2b: {  	s14 =	simm.s32 @!p0 $0x0  }
0x2c: {  	s15 =	sshll.u32 s14, $0xB  }
0x2d: {  	v0 =	vmov s15;
	_ =	sdelay $0x1  }
0x2e: {  	_ =	swait.ge [sflag:s4], $0x800  }
0x2f: {  	s31 =	sand.u32 $0x1, s11;
	[sflag:s4] =	ssyncset.done $0x0  }
0x30: {  	s17 =	simm.s32 $0x0;
	s14 =	smul.u32 $0x2040, s14;
	[sflag:s4] =	ssyncadd.s32 $0xFFFFF800  }
0x31: {  	s15 =	smul.u32 $0x2040, s31;
	v1 =	vld.idx.msk [tilespmem:v0+s17+$0x0 ss:$0x1], $0xffff;
	_ =	sdelay $0x1  }
0x32: {  	s14 =	sshrl.u32 s14, $0x2;
	s16 =	sshrl.u32 s15, $0x2  }
0x33: {  	s15 =	sor.u32 $0x1000, s14;
	s14 =	sor.u32 $0x1000, s16;
	s16 =	simm.s32 $0x40  }
.LBB1_3:
0x34: {  	s17 =	sshra.s32 s16, $0x2;
	p1 =	sne.s32 s16, $0x1FC0;
	s16 =	sadd.s32 $0x40, s16  }
.Ltmp3:
0x35: {  	[tilespmem:s15+$0x0 ss:$0x81] =	vst.msk $0xffff, v1;
	v1 =	vld.idx.msk [tilespmem:v0+s17+$0x0 ss:$0x1], $0xffff;
	(pc) =	sbr.rel @p1 .LBB1_3-.Ltmp3, $2  }
0x36: {  	_ =	sdelay $0x2  }
0x37: {  	s15 =	sadd.s32 $0x1, s15  }
.Ltmp4:
0x38: {  	_ = 	snop;
	(pc) =	sbr.rel .LBB1_4-.Ltmp4, $1  }
0x39: {  	_ =	sdelay $0x3  }
.LBB1_6:
0x3a: {  	_ =	sfence.sel $0x180000  }
0x3b: {  	s2 =	simm.s32 $0x1;
	[bflag:$0x0] =	sbarrier.arrive $0xFFFF  }
0x3c: {  	s31 =	simm.s32 $0x2;
	[sflag:s2] =	ssyncpa.u1 $0x1  }
0x3d: {  	[sflag:s31] =	ssyncpa.u1 $0x1  }
0x3e: {  	p0 =	sne.s32 s0, $0x0;
	_ =	strace $0x9000004A  }
0x3f: {  	s0 =	sadd.s32 @!p0 $0x100000, s1;
	[bflag:$0x2] =	sbarrier.arrive $0xFFFF  }
0x40: {  	[sflag:s0] =	ssyncadd.tile.s32 @!p0 $0x1;
	_ =	shalt  }
.Lfunc_end1:
_tile_overlayer_lowered:
.L_overlay_start_2:
0x41: {  	(tag) =	ssettag $0x2  }
0x42: {  	s0 =	rddreg [dreg:$0x0];
	s2 =	stileid.u32  }
0x43: {  	s1 =	rddreg [dreg:$0x1];
	p0 =	sne.s32 s2, $0x0  }
0x44: {  	s3 =	rddreg [dreg:$0x2];
	[bflag:$0x3] =	sbarrier.arrive $0xFFFF;
	s2 =	simm.s32 @!p0 $0x1C01  }
0x45: {  	[timem:s3], [sflag:s2] =	dma.local @!p0 [hbm:s0], s1  }
0x46: {  	s0 =	simm.s32 @!p0 $0x1  }
0x47: {  	_ =	swait.ge @!p0 [sflag:s0], s1  }
0x48: {  	s1 =	ssub.s32 @!p0 $0x0, s1;
	[sflag:s0] =	ssyncset.done @!p0 $0x0  }
0x49: {  	[sflag:s0] =	ssyncadd.s32 @!p0 s1  }
0x4a: {  	[bflag:$0x3] =	sbarrier.arrive $0xFFFF  }
0x4b: {  	_ =	shalt  }

</sc_bundles>
